<compile_context>
chip_gen: v7x
topology: tpu7x:2x2x1
jax: 0.10.2.dev20260603
libtpu: 0.0.44.dev20260713+nightly
codegen_flags: <defaults>
</compile_context>

<pallas_src>
import jax
import jax.numpy as jnp
from jax.experimental import pallas as pl
from jax.experimental.pallas import tpu as pltpu

BATCH = 16384
TITLE_DIM = 200
NUM_DIM = 36
DOMAIN_DIM = 16
USER_DIM = 24
HIDDEN = 128


def _full(a):
    return pl.BlockSpec(a.shape, lambda i: (0,) * a.ndim)


def _stage1_body(title_ref, num_ref, w1t_ref, w1n_ref, b1_ref, acc_ref):
    bf = jnp.bfloat16
    f32 = jnp.float32
    acc = jnp.dot(w1t_ref[...].astype(bf), title_ref[...].astype(bf),
                  preferred_element_type=f32)
    acc += jnp.dot(w1n_ref[...].astype(bf), num_ref[...].astype(bf),
                   preferred_element_type=f32)
    acc_ref[...] = acc + b1_ref[...]


def _stage1(title_t, num_t, w1t_t, w1n_t, b1c, block_m=8192):
    grid = (BATCH // block_m,)
    return pl.pallas_call(
        _stage1_body,
        grid=grid,
        in_specs=[
            pl.BlockSpec((TITLE_DIM, block_m), lambda i: (0, i)),
            pl.BlockSpec((NUM_DIM, block_m), lambda i: (0, i)),
            _full(w1t_t), _full(w1n_t), _full(b1c),
        ],
        out_specs=pl.BlockSpec((HIDDEN, block_m), lambda i: (0, i)),
        out_shape=jax.ShapeDtypeStruct((HIDDEN, BATCH), jnp.float32),
        compiler_params=pltpu.CompilerParams(
            dimension_semantics=("parallel",)),
    )(title_t, num_t, w1t_t, w1n_t, b1c)


def _stage2_body(acc_ref, dom_ref, usr_ref, w1d_ref, w1u_ref,
                 w2_ref, b2_ref, w3_ref, b3_ref, out_ref):
    bf = jnp.bfloat16
    f32 = jnp.float32
    acc = acc_ref[...]
    acc += jnp.dot(w1d_ref[...].astype(bf), dom_ref[...].astype(bf),
                   preferred_element_type=f32)
    acc += jnp.dot(w1u_ref[...].astype(bf), usr_ref[...].astype(bf),
                   preferred_element_type=f32)
    h1 = jnp.maximum(acc, 0.0)
    h2 = jnp.maximum(
        jnp.dot(w2_ref[...].astype(bf), h1.astype(bf),
                preferred_element_type=f32) + b2_ref[...], 0.0)
    out = jnp.dot(w3_ref[...].astype(bf), h2.astype(bf),
                  preferred_element_type=f32) + b3_ref[...]
    out_ref[...] = out[0]


def _stage2(acc, dom_t, usr_t, w1d_t, w1u_t, w2_t, b2c, w3_t, b3c,
            block_m=8192):
    grid = (BATCH // block_m,)
    return pl.pallas_call(
        _stage2_body,
        grid=grid,
        in_specs=[
            pl.BlockSpec((HIDDEN, block_m), lambda i: (0, i)),
            pl.BlockSpec((DOMAIN_DIM, block_m), lambda i: (0, i)),
            pl.BlockSpec((USER_DIM, block_m), lambda i: (0, i)),
            _full(w1d_t), _full(w1u_t), _full(w2_t), _full(b2c),
            _full(w3_t), _full(b3c),
        ],
        out_specs=pl.BlockSpec((block_m,), lambda i: (i,)),
        out_shape=jax.ShapeDtypeStruct((BATCH,), jnp.float32),
        compiler_params=pltpu.CompilerParams(
            dimension_semantics=("parallel",)),
    )(acc, dom_t, usr_t, w1d_t, w1u_t, w2_t, b2c, w3_t, b3c)


def kernel(title_emb, numerical_features, domain_ids, user_ids,
           domain_table, user_table, W1, b1, W2, b2, W3, b3):
    usr_t = user_table.T.at[:, user_ids].get(mode="promise_in_bounds")
    dom_t = domain_table.T.at[:, domain_ids].get(mode="promise_in_bounds")
    title_t = title_emb.T
    num_t = numerical_features.T
    w1t_t = W1[:TITLE_DIM].T * 0.5
    w1n_t = W1[TITLE_DIM:TITLE_DIM + NUM_DIM].T
    w1d_t = W1[TITLE_DIM + NUM_DIM:TITLE_DIM + NUM_DIM + DOMAIN_DIM].T
    w1u_t = W1[TITLE_DIM + NUM_DIM + DOMAIN_DIM:].T
    w2_t = W2.T
    w3_t = W3.T
    b1c = b1[:, None]
    b2c = b2[:, None]
    b3c = b3[:, None]
    acc = _stage1(title_t, num_t, w1t_t, w1n_t, b1c)
    return _stage2(acc, dom_t, usr_t, w1d_t, w1u_t, w2_t, b2c,
                   w3_t, b3c)

# --- scband reference (transcript-rebuilt; emitter-appended) ---
"""Pipeline reference for scband-combined-score-predictor-49667001811757 (READ-ONLY COPY).

The authoritative reference and input builder live on the scoring server;
editing this copy changes nothing except your own understanding.
"""

import jax, jax.numpy as jnp
import numpy as np

N_DOMAINS = 100000
N_USERS = 1000000
DOMAIN_DIM = 16
USER_DIM = 24
TITLE_DIM = 200
NUM_DIM = 36
HIDDEN = 128
BATCH = 16384


def setup_inputs(seed: int = 0) -> dict:
    key = jax.random.key(seed)
    ks = jax.random.split(key, 12)
    title_emb = jax.random.normal(ks[0], (BATCH, TITLE_DIM), dtype=jnp.float32)
    numerical_features = jax.random.normal(ks[1], (BATCH, NUM_DIM), dtype=jnp.float32)
    domain_ids = jax.random.randint(ks[2], (BATCH,), 0, N_DOMAINS, dtype=jnp.int32)
    user_ids = jax.random.randint(ks[3], (BATCH,), 0, N_USERS, dtype=jnp.int32)
    domain_table = 0.01 * jax.random.normal(ks[4], (N_DOMAINS, DOMAIN_DIM), dtype=jnp.float32)
    user_table = 0.01 * jax.random.normal(ks[5], (N_USERS, USER_DIM), dtype=jnp.float32)
    total_in = TITLE_DIM + NUM_DIM + DOMAIN_DIM + USER_DIM
    # He (kaiming) init, fan_out mode
    W1 = jax.random.normal(ks[6], (total_in, HIDDEN), dtype=jnp.float32) * np.sqrt(2.0 / HIDDEN)
    b1 = jnp.zeros((HIDDEN,), dtype=jnp.float32)
    W2 = jax.random.normal(ks[7], (HIDDEN, HIDDEN // 2), dtype=jnp.float32) * np.sqrt(2.0 / (HIDDEN // 2))
    b2 = jnp.zeros((HIDDEN // 2,), dtype=jnp.float32)
    W3 = jax.random.normal(ks[8], (HIDDEN // 2, 1), dtype=jnp.float32) * np.sqrt(2.0 / 1)
    b3 = jnp.zeros((1,), dtype=jnp.float32)
    return {
        "title_emb": title_emb,
        "numerical_features": numerical_features,
        "domain_ids": domain_ids,
        "user_ids": user_ids,
        "domain_table": domain_table,
        "user_table": user_table,
        "W1": W1, "b1": b1, "W2": W2, "b2": b2, "W3": W3, "b3": b3,
    }


def reference(title_emb, numerical_features, domain_ids, user_ids,
              domain_table, user_table, W1, b1, W2, b2, W3, b3):
    domain_emb = jnp.take(domain_table, domain_ids, axis=0)
    user_emb = jnp.take(user_table, user_ids, axis=0)
    title_scaled = title_emb * 0.5
    combined = jnp.concatenate([title_scaled, numerical_features, domain_emb, user_emb], axis=1)
    h = jnp.maximum(combined @ W1 + b1, 0.0)
    # dropout is identity in eval mode
    h = jnp.maximum(h @ W2 + b2, 0.0)
    out = h @ W3 + b3
    return out.squeeze(1)

if __name__ == "__main__":
    import jax
    _d = setup_inputs()
    print(jax.jit(kernel)(*tuple(_d.values())))

</pallas_src>

<mosaic_0001>
module attributes {stable_mosaic.version = 14 : i64} {
  func.func @_stage1_body(%arg0: i32, %arg1: memref<200x8192xf32, #tpu.memory_space<vmem>>, %arg2: memref<36x8192xf32, #tpu.memory_space<vmem>>, %arg3: memref<128x200xf32, #tpu.memory_space<vmem>>, %arg4: memref<128x36xf32, #tpu.memory_space<vmem>>, %arg5: memref<128x1xf32, #tpu.memory_space<vmem>>, %arg6: memref<128x8192xf32, #tpu.memory_space<vmem>>) attributes {dimension_semantics = [#tpu.dimension_semantics<parallel>], iteration_bounds = array<i64: 2>, scalar_prefetch = 0 : i64, scratch_operands = 0 : i64, tpu.core_type = #tpu.core_type<tc>, window_params = [{transform_indices = @transform_0, window_bounds = array<i64: 200, 8192>}, {transform_indices = @transform_1, window_bounds = array<i64: 36, 8192>}, {pipeline_mode = #tpu.pipeline_mode<synchronous>, transform_indices = @transform_2, window_bounds = array<i64: 128, 200>}, {pipeline_mode = #tpu.pipeline_mode<synchronous>, transform_indices = @transform_3, window_bounds = array<i64: 128, 36>}, {pipeline_mode = #tpu.pipeline_mode<synchronous>, transform_indices = @transform_4, window_bounds = array<i64: 128, 1>}, {transform_indices = @transform_5, window_bounds = array<i64: 128, 8192>}]} {
    %get3A = arith.constant 0 : index
    %get3A_0 = arith.constant 0 : index
    %get3A_1 = vector.load %arg3[%get3A, %get3A_0] : memref<128x200xf32, #tpu.memory_space<vmem>>, vector<128x200xf32>
    %convert_element_type3A = arith.truncf %get3A_1 : vector<128x200xf32> to vector<128x200xbf16>
    %get3A_2 = arith.constant 0 : index
    %get3A_3 = arith.constant 0 : index
    %get3A_4 = vector.load %arg1[%get3A_2, %get3A_3] : memref<200x8192xf32, #tpu.memory_space<vmem>>, vector<200x8192xf32>
    %convert_element_type3A_5 = arith.truncf %get3A_4 : vector<200x8192xf32> to vector<200x8192xbf16>
    %dot_general3A = arith.constant dense<0.000000e+00> : vector<128x8192xf32>
    %dot_general3A_6 = tpu.matmul %convert_element_type3A, %convert_element_type3A_5, %dot_general3A {dimension_numbers = #tpu.dot_dimension_numbers<[1], [0], [0], [1], [0, 0, 1, 1], [], []>, transpose_lhs_hint = false} : vector<128x200xbf16>, vector<200x8192xbf16>, vector<128x8192xf32> -> vector<128x8192xf32>
    %get3A_7 = arith.constant 0 : index
    %get3A_8 = arith.constant 0 : index
    %get3A_9 = vector.load %arg4[%get3A_7, %get3A_8] : memref<128x36xf32, #tpu.memory_space<vmem>>, vector<128x36xf32>
    %convert_element_type3A_10 = arith.truncf %get3A_9 : vector<128x36xf32> to vector<128x36xbf16>
    %get3A_11 = arith.constant 0 : index
    %get3A_12 = arith.constant 0 : index
    %get3A_13 = vector.load %arg2[%get3A_11, %get3A_12] : memref<36x8192xf32, #tpu.memory_space<vmem>>, vector<36x8192xf32>
    %convert_element_type3A_14 = arith.truncf %get3A_13 : vector<36x8192xf32> to vector<36x8192xbf16>
    %dot_general3A_15 = arith.constant dense<0.000000e+00> : vector<128x8192xf32>
    %dot_general3A_16 = tpu.matmul %convert_element_type3A_10, %convert_element_type3A_14, %dot_general3A_15 {dimension_numbers = #tpu.dot_dimension_numbers<[1], [0], [0], [1], [0, 0, 1, 1], [], []>, transpose_lhs_hint = false} : vector<128x36xbf16>, vector<36x8192xbf16>, vector<128x8192xf32> -> vector<128x8192xf32>
    %add3A = arith.addf %dot_general3A_6, %dot_general3A_16 : vector<128x8192xf32>
    %get3A_17 = arith.constant 0 : index
    %get3A_18 = arith.constant 0 : index
    %get3A_19 = vector.load %arg5[%get3A_17, %get3A_18] : memref<128x1xf32, #tpu.memory_space<vmem>>, vector<128x1xf32>
    %add3A_20 = vector.broadcast %get3A_19 : vector<128x1xf32> to vector<128x8192xf32>
    %add3A_21 = arith.addf %add3A, %add3A_20 : vector<128x8192xf32>
    %swap3A = arith.constant 0 : index
    %swap3A_22 = arith.constant 0 : index
    %swap3A_23 = vector.load %arg6[%swap3A, %swap3A_22] : memref<128x8192xf32, #tpu.memory_space<vmem>>, vector<128x8192xf32>
    tpu.vector_store %arg6[%swap3A, %swap3A_22], %add3A_21 {strides = array<i32>} : memref<128x8192xf32, #tpu.memory_space<vmem>>, vector<128x8192xf32>,
    return
  }
  func.func @transform_0(%arg0: i32) -> (i32, i32) {
    %c0_i32 = arith.constant 0 : i32
    %c0_i32_0 = arith.constant 0 : i32
    return %c0_i32, %arg0 : i32, i32
  }
  func.func @transform_1(%arg0: i32) -> (i32, i32) {
    %c0_i32 = arith.constant 0 : i32
    %c0_i32_0 = arith.constant 0 : i32
    return %c0_i32, %arg0 : i32, i32
  }
  func.func @transform_2(%arg0: i32) -> (i32, i32) {
    %c0_i32 = arith.constant 0 : i32
    %c0_i32_0 = arith.constant 0 : i32
    %c0_i32_1 = arith.constant 0 : i32
    return %c0_i32, %c0_i32_0 : i32, i32
  }
  func.func @transform_3(%arg0: i32) -> (i32, i32) {
    %c0_i32 = arith.constant 0 : i32
    %c0_i32_0 = arith.constant 0 : i32
    %c0_i32_1 = arith.constant 0 : i32
    return %c0_i32, %c0_i32_0 : i32, i32
  }
  func.func @transform_4(%arg0: i32) -> (i32, i32) {
    %c0_i32 = arith.constant 0 : i32
    %c0_i32_0 = arith.constant 0 : i32
    %c0_i32_1 = arith.constant 0 : i32
    return %c0_i32, %c0_i32_0 : i32, i32
  }
  func.func @transform_5(%arg0: i32) -> (i32, i32) {
    %c0_i32 = arith.constant 0 : i32
    %c0_i32_0 = arith.constant 0 : i32
    return %c0_i32, %arg0 : i32, i32
  }
}

module attributes {stable_mosaic.version = 14 : i64} {
  func.func @_stage2_body(%arg0: i32, %arg1: memref<128x8192xf32, #tpu.memory_space<vmem>>, %arg2: memref<16x8192xf32, #tpu.memory_space<vmem>>, %arg3: memref<24x8192xf32, #tpu.memory_space<vmem>>, %arg4: memref<128x16xf32, #tpu.memory_space<vmem>>, %arg5: memref<128x24xf32, #tpu.memory_space<vmem>>, %arg6: memref<64x128xf32, #tpu.memory_space<vmem>>, %arg7: memref<64x1xf32, #tpu.memory_space<vmem>>, %arg8: memref<1x64xf32, #tpu.memory_space<vmem>>, %arg9: memref<1x1xf32, #tpu.memory_space<vmem>>, %arg10: memref<8192xf32, #tpu.memory_space<vmem>>) attributes {dimension_semantics = [#tpu.dimension_semantics<parallel>], iteration_bounds = array<i64: 2>, scalar_prefetch = 0 : i64, scratch_operands = 0 : i64, tpu.core_type = #tpu.core_type<tc>, window_params = [{transform_indices = @transform_0, window_bounds = array<i64: 128, 8192>}, {transform_indices = @transform_1, window_bounds = array<i64: 16, 8192>}, {transform_indices = @transform_2, window_bounds = array<i64: 24, 8192>}, {pipeline_mode = #tpu.pipeline_mode<synchronous>, transform_indices = @transform_3, window_bounds = array<i64: 128, 16>}, {pipeline_mode = #tpu.pipeline_mode<synchronous>, transform_indices = @transform_4, window_bounds = array<i64: 128, 24>}, {pipeline_mode = #tpu.pipeline_mode<synchronous>, transform_indices = @transform_5, window_bounds = array<i64: 64, 128>}, {pipeline_mode = #tpu.pipeline_mode<synchronous>, transform_indices = @transform_6, window_bounds = array<i64: 64, 1>}, {pipeline_mode = #tpu.pipeline_mode<synchronous>, transform_indices = @transform_7, window_bounds = array<i64: 1, 64>}, {pipeline_mode = #tpu.pipeline_mode<synchronous>, transform_indices = @transform_8, window_bounds = array<i64: 1, 1>}, {transform_indices = @transform_9, window_bounds = array<i64: 8192>}]} {
    %get3A = arith.constant 0 : index
    %get3A_0 = arith.constant 0 : index
    %get3A_1 = vector.load %arg1[%get3A, %get3A_0] : memref<128x8192xf32, #tpu.memory_space<vmem>>, vector<128x8192xf32>
    %get3A_2 = arith.constant 0 : index
    %get3A_3 = arith.constant 0 : index
    %get3A_4 = vector.load %arg4[%get3A_2, %get3A_3] : memref<128x16xf32, #tpu.memory_space<vmem>>, vector<128x16xf32>
    %convert_element_type3A = arith.truncf %get3A_4 : vector<128x16xf32> to vector<128x16xbf16>
    %get3A_5 = arith.constant 0 : index
    %get3A_6 = arith.constant 0 : index
    %get3A_7 = vector.load %arg2[%get3A_5, %get3A_6] : memref<16x8192xf32, #tpu.memory_space<vmem>>, vector<16x8192xf32>
    %convert_element_type3A_8 = arith.truncf %get3A_7 : vector<16x8192xf32> to vector<16x8192xbf16>
    %dot_general3A = arith.constant dense<0.000000e+00> : vector<128x8192xf32>
    %dot_general3A_9 = tpu.matmul %convert_element_type3A, %convert_element_type3A_8, %dot_general3A {dimension_numbers = #tpu.dot_dimension_numbers<[1], [0], [0], [1], [0, 0, 1, 1], [], []>, transpose_lhs_hint = false} : vector<128x16xbf16>, vector<16x8192xbf16>, vector<128x8192xf32> -> vector<128x8192xf32>
    %add3A = arith.addf %get3A_1, %dot_general3A_9 : vector<128x8192xf32>
    %get3A_10 = arith.constant 0 : index
    %get3A_11 = arith.constant 0 : index
    %get3A_12 = vector.load %arg5[%get3A_10, %get3A_11] : memref<128x24xf32, #tpu.memory_space<vmem>>, vector<128x24xf32>
    %convert_element_type3A_13 = arith.truncf %get3A_12 : vector<128x24xf32> to vector<128x24xbf16>
    %get3A_14 = arith.constant 0 : index
    %get3A_15 = arith.constant 0 : index
    %get3A_16 = vector.load %arg3[%get3A_14, %get3A_15] : memref<24x8192xf32, #tpu.memory_space<vmem>>, vector<24x8192xf32>
    %convert_element_type3A_17 = arith.truncf %get3A_16 : vector<24x8192xf32> to vector<24x8192xbf16>
    %dot_general3A_18 = arith.constant dense<0.000000e+00> : vector<128x8192xf32>
    %dot_general3A_19 = tpu.matmul %convert_element_type3A_13, %convert_element_type3A_17, %dot_general3A_18 {dimension_numbers = #tpu.dot_dimension_numbers<[1], [0], [0], [1], [0, 0, 1, 1], [], []>, transpose_lhs_hint = false} : vector<128x24xbf16>, vector<24x8192xbf16>, vector<128x8192xf32> -> vector<128x8192xf32>
    %add3A_20 = arith.addf %add3A, %dot_general3A_19 : vector<128x8192xf32>
    %max3A = arith.constant 0.000000e+00 : f32
    %max3A_21 = vector.broadcast %max3A : f32 to vector<128x8192xf32>
    %max3A_22 = arith.maximumf %add3A_20, %max3A_21 : vector<128x8192xf32>
    %get3A_23 = arith.constant 0 : index
    %get3A_24 = arith.constant 0 : index
    %get3A_25 = vector.load %arg6[%get3A_23, %get3A_24] : memref<64x128xf32, #tpu.memory_space<vmem>>, vector<64x128xf32>
    %convert_element_type3A_26 = arith.truncf %get3A_25 : vector<64x128xf32> to vector<64x128xbf16>
    %convert_element_type3A_27 = arith.truncf %max3A_22 : vector<128x8192xf32> to vector<128x8192xbf16>
    %dot_general3A_28 = arith.constant dense<0.000000e+00> : vector<64x8192xf32>
    %dot_general3A_29 = tpu.matmul %convert_element_type3A_26, %convert_element_type3A_27, %dot_general3A_28 {dimension_numbers = #tpu.dot_dimension_numbers<[1], [0], [0], [1], [0, 0, 1, 1], [], []>, transpose_lhs_hint = false} : vector<64x128xbf16>, vector<128x8192xbf16>, vector<64x8192xf32> -> vector<64x8192xf32>
    %get3A_30 = arith.constant 0 : index
    %get3A_31 = arith.constant 0 : index
    %get3A_32 = vector.load %arg7[%get3A_30, %get3A_31] : memref<64x1xf32, #tpu.memory_space<vmem>>, vector<64x1xf32>
    %add3A_33 = vector.broadcast %get3A_32 : vector<64x1xf32> to vector<64x8192xf32>
    %add3A_34 = arith.addf %dot_general3A_29, %add3A_33 : vector<64x8192xf32>
    %max3A_35 = arith.constant 0.000000e+00 : f32
    %max3A_36 = vector.broadcast %max3A_35 : f32 to vector<64x8192xf32>
    %max3A_37 = arith.maximumf %add3A_34, %max3A_36 : vector<64x8192xf32>
    %get3A_38 = arith.constant 0 : index
    %get3A_39 = arith.constant 0 : index
    %get3A_40 = vector.load %arg8[%get3A_38, %get3A_39] : memref<1x64xf32, #tpu.memory_space<vmem>>, vector<1x64xf32>
    %convert_element_type3A_41 = arith.truncf %get3A_40 : vector<1x64xf32> to vector<1x64xbf16>
    %convert_element_type3A_42 = arith.truncf %max3A_37 : vector<64x8192xf32> to vector<64x8192xbf16>
    %dot_general3A_43 = arith.constant dense<0.000000e+00> : vector<1x8192xf32>
    %dot_general3A_44 = tpu.matmul %convert_element_type3A_41, %convert_element_type3A_42, %dot_general3A_43 {dimension_numbers = #tpu.dot_dimension_numbers<[1], [0], [0], [1], [0, 0, 1, 1], [], []>, transpose_lhs_hint = false} : vector<1x64xbf16>, vector<64x8192xbf16>, vector<1x8192xf32> -> vector<1x8192xf32>
    %get3A_45 = arith.constant 0 : index
    %get3A_46 = arith.constant 0 : index
    %get3A_47 = vector.load %arg9[%get3A_45, %get3A_46] : memref<1x1xf32, #tpu.memory_space<vmem>>, vector<1x1xf32>
    %add3A_48 = vector.broadcast %get3A_47 : vector<1x1xf32> to vector<1x8192xf32>
    %add3A_49 = arith.addf %dot_general3A_44, %add3A_48 : vector<1x8192xf32>
    %squeeze3A = vector.shape_cast %add3A_49 : vector<1x8192xf32> to vector<8192xf32>
    %swap3A = arith.constant 0 : index
    %swap3A_50 = vector.load %arg10[%swap3A] : memref<8192xf32, #tpu.memory_space<vmem>>, vector<8192xf32>
    tpu.vector_store %arg10[%swap3A], %squeeze3A {strides = array<i32>} : memref<8192xf32, #tpu.memory_space<vmem>>, vector<8192xf32>,
    return
  }
  func.func @transform_0(%arg0: i32) -> (i32, i32) {
    %c0_i32 = arith.constant 0 : i32
    %c0_i32_0 = arith.constant 0 : i32
    return %c0_i32, %arg0 : i32, i32
  }
  func.func @transform_1(%arg0: i32) -> (i32, i32) {
    %c0_i32 = arith.constant 0 : i32
    %c0_i32_0 = arith.constant 0 : i32
    return %c0_i32, %arg0 : i32, i32
  }
  func.func @transform_2(%arg0: i32) -> (i32, i32) {
    %c0_i32 = arith.constant 0 : i32
    %c0_i32_0 = arith.constant 0 : i32
    return %c0_i32, %arg0 : i32, i32
  }
  func.func @transform_3(%arg0: i32) -> (i32, i32) {
    %c0_i32 = arith.constant 0 : i32
    %c0_i32_0 = arith.constant 0 : i32
    %c0_i32_1 = arith.constant 0 : i32
    return %c0_i32, %c0_i32_0 : i32, i32
  }
  func.func @transform_4(%arg0: i32) -> (i32, i32) {
    %c0_i32 = arith.constant 0 : i32
    %c0_i32_0 = arith.constant 0 : i32
    %c0_i32_1 = arith.constant 0 : i32
    return %c0_i32, %c0_i32_0 : i32, i32
  }
  func.func @transform_5(%arg0: i32) -> (i32, i32) {
    %c0_i32 = arith.constant 0 : i32
    %c0_i32_0 = arith.constant 0 : i32
    %c0_i32_1 = arith.constant 0 : i32
    return %c0_i32, %c0_i32_0 : i32, i32
  }
  func.func @transform_6(%arg0: i32) -> (i32, i32) {
    %c0_i32 = arith.constant 0 : i32
    %c0_i32_0 = arith.constant 0 : i32
    %c0_i32_1 = arith.constant 0 : i32
    return %c0_i32, %c0_i32_0 : i32, i32
  }
  func.func @transform_7(%arg0: i32) -> (i32, i32) {
    %c0_i32 = arith.constant 0 : i32
    %c0_i32_0 = arith.constant 0 : i32
    %c0_i32_1 = arith.constant 0 : i32
    return %c0_i32, %c0_i32_0 : i32, i32
  }
  func.func @transform_8(%arg0: i32) -> (i32, i32) {
    %c0_i32 = arith.constant 0 : i32
    %c0_i32_0 = arith.constant 0 : i32
    %c0_i32_1 = arith.constant 0 : i32
    return %c0_i32, %c0_i32_0 : i32, i32
  }
  func.func @transform_9(%arg0: i32) -> i32 {
    %c0_i32 = arith.constant 0 : i32
    return %arg0 : i32
  }
}

</mosaic_0001>

<sc_bundles>
// kernel: gather_offload_async_start.1
scs
__scs_entry_jumppad:
0x0: {  	(pc) =	sbr.rel $0x88, $3  }
0x1: {  	(tag) =	ssettag $0x0;
	lr =	simm.s32 $0x1  }
0x2: {  	[smem:$0x3F95] =	sst lr;
	_ =	strace $0xD0000000  }
0x3: {  	_ = 	snop  }
0x4: {  	_ = 	snop  }
0x5: {  	_ = 	snop  }
0x6: {  	_ = 	snop  }
0x7: {  	_ = 	snop  }
__scs_overlays_trampoline_lowered:
0x8: {  	[smem:$0x3FA4] =	sst s0  }
0x9: {  	[smem:$0x3FA5] =	sst s1  }
0xa: {  	[smem:$0x3FA6] =	sst s2  }
0xb: {  	[smem:$0x3FA7] =	sst s3  }
0xc: {  	[smem:$0x3FA8] =	sst s4  }
0xd: {  	[smem:$0x3FA9] =	sst s5  }
0xe: {  	[smem:$0x3FAA] =	sst s6  }
0xf: {  	[smem:$0x3FAB] =	sst s7  }
0x10: {  	[smem:$0x3FAC] =	sst s8  }
0x11: {  	[smem:$0x3FAD] =	sst s9;
	s0 =	simm.s32 @!p0 $0x0  }
0x12: {  	s1 =	sld [smem:$0x3F93];
	s0 =	simm.s32 @p0 $0x1  }
0x13: {  	[smem:$0x3FAE] =	sst s0;
	s0 =	simm.s32 @!p1 $0x0  }
0x14: {  	s2 =	sld [smem:$0x3F92];
	s0 =	simm.s32 @p1 $0x1  }
0x15: {  	[smem:$0x3FAF] =	sst s0;
	s0 =	simm.s32 @!p2 $0x0  }
0x16: {  	s3 =	sld [smem:$0x3FDB];
	s0 =	simm.s32 @p2 $0x1  }
0x17: {  	s4 =	simm.s32 $0x1BF5;
	[smem:$0x3FB1] =	sst s0  }
0x18: {  	s0 =	sld [smem:$0x3F94];
	_ =	swait.ge [sflag:s4], $0x0  }
0x19: {  	s7 =	sld [smem:$0x3F95]  }
0x1a: {  	s8 =	sadd.s32 $0xFFFFE003, lr  }
0x1b: {  	s9 =	sadd.s32 $0xFFFFFEF7, lr;
	s5 =	simm.s32 $0xFFFFFFFF;
	p2 =	slt.u32 s8, $0xFFFFF086  }
0x1c: {  	p1 =	slt.u32 s9, $0xF7A;
	s5 =	simm.s32 @!p2 $0x0  }
0x1d: {  	s5 =	simm.s32 @p1 $0x1;
	p0 =	seq.s32 s7, s2  }
0x1e: {  	s7 =	smul.u32 @!p0 $0xF7A, s2;
	p2 =	seq.s32 @!p0 s5, $0x0  }
0x1f: {  	s9 =	smul.u32 $0xF7A, s1;
	s8 =	simm.s32 @!p0 $0x1BF5;
	p2 =	por !p2, p0  }
0x20: {  	[sflag:s8] =	ssyncset.s32 @!p0 $0xFFFFF086;
	s6 =	sadd.s32 @!p0 s3, s7;
	s7 =	simm.s32 @!p0 $0x108  }
0x21: {  	s3 =	sadd.s32 s3, s9;
	s6 =	sadd.s32 @!p0 $0x88, s6;
	s7 =	simm.s32 @p2 $0x1082  }
0x22: {  	[simem:s7], [sflag:s8] =	dma.local @!p0 [hbm:s6], $0xF7A  }
0x23: {  	s9 =	sor.u32 $0xD0000000, s2;
	s6 =	simm.s32 $0x108;
	_ =	swait.ge @!p0 [sflag:s8], $0x0  }
0x24: {  	s3 =	sadd.s32 $0x88, s3;
	s6 =	simm.s32 @!p1 $0x1082;
	[sflag:s4] =	ssyncset.s32 $0xFFFFF086  }
0x25: {  	[simem:s6], [sflag:s4] =	dma.local [hbm:s3], $0xF7A  }
0x26: {  	[smem:$0x3F95] =	sst s1;
	(tag) =	ssettag s2;
	_ =	strace s9  }
0x27: {  	s1 =	sld [smem:$0x3FA5]  }
0x28: {  	s2 =	sld [smem:$0x3FA6]  }
0x29: {  	s4 =	sld [smem:$0x3FA8]  }
0x2a: {  	p0 =	seq.s32 s5, $0x0;
	s5 =	sld [smem:$0x3FA9]  }
0x2b: {  	s6 =	sld [smem:$0x3FAA]  }
0x2c: {  	s7 =	sld [smem:$0x3FAB]  }
0x2d: {  	s3 =	simm.s32 $0x108;
	s8 =	sld [smem:$0x3FAC]  }
0x2e: {  	s3 =	simm.s32 @!p0 $0x1082;
	s9 =	sld [smem:$0x3FAD]  }
0x2f: {  	lr =	sadd.s32 s0, s3;
	s0 =	sld [smem:$0x3FA4]  }
0x30: {  	s3 =	sld [smem:$0x3FA7]  }
0x31: {  	[smem:$0x3FB0] =	sst s10  }
0x32: {  	s10 =	sld [smem:$0x3FAE];
	_ =	sdelay $0x3  }
0x33: {  	p0 =	seq.s32 s10, $0x1;
	s10 =	sld [smem:$0x3FB0];
	_ =	sdelay $0x3  }
0x34: {  	[smem:$0x3FB0] =	sst s10  }
0x35: {  	s10 =	sld [smem:$0x3FAF];
	_ =	sdelay $0x3  }
0x36: {  	p1 =	seq.s32 s10, $0x1;
	s10 =	sld [smem:$0x3FB0];
	_ =	sdelay $0x3  }
0x37: {  	[smem:$0x3FB0] =	sst s10  }
0x38: {  	s10 =	sld [smem:$0x3FB1]  }
0x39: {  	_ = 	snop;
	(pc) =	sbr.ind lr, $3  }
0x3a: {  	_ = 	snop  }
0x3b: {  	_ = 	snop  }
0x3c: {  	p2 =	seq.s32 s10, $0x1;
	s10 =	sld [smem:$0x3FB0]  }
0x3d: {  	_ =	shalt  }
0x3e: {  	_ =	shalt  }
0x3f: {  	_ =	shalt  }
0x40: {  	_ =	shalt  }
0x41: {  	_ =	shalt  }
0x42: {  	_ =	shalt  }
0x43: {  	_ =	shalt  }
0x44: {  	_ =	shalt  }
0x45: {  	_ =	shalt  }
0x46: {  	_ =	shalt  }
0x47: {  	_ =	shalt  }
0x48: {  	_ =	shalt  }
0x49: {  	_ =	shalt  }
0x4a: {  	_ =	shalt  }
0x4b: {  	_ =	shalt  }
0x4c: {  	_ =	shalt  }
0x4d: {  	_ =	shalt  }
0x4e: {  	_ =	shalt  }
0x4f: {  	_ =	shalt  }
0x50: {  	_ =	shalt  }
0x51: {  	_ =	shalt  }
0x52: {  	_ =	shalt  }
0x53: {  	_ =	shalt  }
0x54: {  	_ =	shalt  }
0x55: {  	_ =	shalt  }
0x56: {  	_ =	shalt  }
0x57: {  	_ =	shalt  }
0x58: {  	_ =	shalt  }
0x59: {  	_ =	shalt  }
0x5a: {  	_ =	shalt  }
0x5b: {  	_ =	shalt  }
0x5c: {  	_ =	shalt  }
0x5d: {  	_ =	shalt  }
0x5e: {  	_ =	shalt  }
0x5f: {  	_ =	shalt  }
0x60: {  	_ =	shalt  }
0x61: {  	_ =	shalt  }
0x62: {  	_ =	shalt  }
0x63: {  	_ =	shalt  }
0x64: {  	_ =	shalt  }
0x65: {  	_ =	shalt  }
0x66: {  	_ =	shalt  }
0x67: {  	_ =	shalt  }
0x68: {  	_ =	shalt  }
0x69: {  	_ =	shalt  }
0x6a: {  	_ =	shalt  }
0x6b: {  	_ =	shalt  }
0x6c: {  	_ =	shalt  }
0x6d: {  	_ =	shalt  }
0x6e: {  	_ =	shalt  }
0x6f: {  	_ =	shalt  }
0x70: {  	_ =	shalt  }
0x71: {  	_ =	shalt  }
0x72: {  	_ =	shalt  }
0x73: {  	_ =	shalt  }
0x74: {  	_ =	shalt  }
0x75: {  	_ =	shalt  }
0x76: {  	_ =	shalt  }
0x77: {  	_ =	shalt  }
0x78: {  	_ =	shalt  }
0x79: {  	_ =	shalt  }
0x7a: {  	_ =	shalt  }
0x7b: {  	_ =	shalt  }
0x7c: {  	_ =	shalt  }
0x7d: {  	_ =	shalt  }
0x7e: {  	_ =	shalt  }
0x7f: {  	_ =	shalt  }
0x80: {  	_ =	shalt  }
0x81: {  	_ =	shalt  }
0x82: {  	_ =	shalt  }
0x83: {  	_ =	shalt  }
0x84: {  	_ =	shalt  }
0x85: {  	_ =	shalt  }
0x86: {  	_ =	shalt  }
0x87: {  	_ =	shalt  }
.Lfunc_end0:
.L_simem_size_0:
called_computation.1_lowered:
.L_overlay_start_0:
0x88: {  	s2 =	sld [smem:$0x3FD9]  }
0x89: {  	s3 =	sld [smem:$0x3FFE];
	_ =	sdelay $0x1  }
0x8a: {  	s1 =	srdreg.scid  }
0x8b: {  	s0 =	sand.u32 $0x1, s1  }
0x8c: {  	s17 =	sshll.u32 s0, $0xA;
	s2 =	sadd.s32 s3, s2  }
0x8d: {  	s2 =	sadd.s32 s2, s17  }
0x8e: {  	[smem:$0x3FBC] =	sst s2  }
0x8f: {  	_ = 	snop  }
0x90: {  	s2 =	sld [smem:$0x3FD0];
	(tm) =	ssettm $0x1  }
0x91: {  	s18 =	sld [smem:$0x3FFB];
	_ =	sdelay $0x3  }
0x92: {  	_ =	strace s18  }
0x93: {  	s3 =	sld [smem:$0x3FFC];
	_ =	sdelay $0x3  }
0x94: {  	_ =	strace s3  }
0x95: {  	s3 =	sld [smem:$0x3FFD];
	_ =	sdelay $0x3  }
0x96: {  	_ =	strace s3  }
0x97: {  	_ =	strace $0x8FFFFFFF  }
0x98: {  	s19 =	sld [smem:$0x3FDB];
	_ =	sdelay $0x1  }
0x99: {  	s4 =	simm.s32 $_scs_section_size  }
0x9a: {  	s5 =	simm.s32 $_size__tile_overlayer_lowered;
	s6 =	simm.s32 $_tile_overlayer_lowered  }
0x9b: {  	s22 =	simm.s32 $0x1BFF;
	s21 =	sshll.u32 s6, $0x1;
	s3 =	sadd.s32 s4, s19  }
0x9c: {  	s7 =	simm.s32 $0x0;
	s20 =	sshll.u32 s5, $0x1;
	s5 =	sadd.s32 s21, s3  }
0x9d: {  	[timem:s7], [sflag:s22] =	dma.local [hbm:s5], s20  }
0x9e: {  	_ =	swait.ge [sflag:s22], s20  }
0x9f: {  	s4 =	ssub.s32 $0x0, s20;
	[sflag:s22] =	ssyncset.done $0x0  }
0xa0: {  	[sflag:s22] =	ssyncadd.s32 s4;
	_ =	sdelay $0x1  }
0xa1: {  	s23 =	simm.s32 $0x1B8B  }
0xa2: {  	_ =	swait.ge [sflag:s23], $0x1  }
0xa3: {  	[sflag:s23] =	ssyncset.done $0x0  }
0xa4: {  	s25 =	simm.s32 $0x1B8E;
	s24 =	sld [smem:$0x3FFE];
	[sflag:s23] =	ssyncadd.s32 $0xFFFFFFFF  }
0xa5: {  	s26 =	simm.s32 $execute0_lowered;
	[smem:$0x3FD2] =	sst s25  }
0xa6: {  	s5 =	sshll.u32 s26, $0x1;
	_ =	strace $0x80000046;
	[dreg:$0x1] =	wrdreg $0xFFFFFFFF  }
0xa7: {  	s28 =	simm.s32 $_size_execute0_lowered;
	s3 =	sadd.s32 s3, s5;
	[dreg:$0x0] =	wrdreg $0x0  }
0xa8: {  	s5 =	sshll.u32 s28, $0x1;
	[dreg:$0x2] =	wrdreg s3  }
0xa9: {  	[dreg:$0x3] =	wrdreg s5  }
0xaa: {  	[dreg:$0x4] =	wrdreg $0xC0  }
0xab: {  	_ =	task [dreg:s7], $0x5FFFF  }
0xac: {  	[dreg:$0x1] =	wrdreg $0xFFFFFFFF  }
0xad: {  	[dreg:$0x0] =	wrdreg $0x60  }
0xae: {  	[dreg:$0x2] =	wrdreg s24  }
0xaf: {  	[dreg:$0x3] =	wrdreg s2  }
0xb0: {  	[dreg:$0x4] =	wrdreg $0xA  }
0xb1: {  	_ =	task.clear_ibuf [dreg:s7], $0x5FFFF;
	_ =	strace $0x90000046  }
0xb2: {  	s29 =	simm.s32 $0xA;
	_ =	strace $0x80000048  }
0xb3: {  	_ =	swait.ge [sflag:s29], $0x1  }
0xb4: {  	[sflag:s29] =	ssyncadd.s32 $0xFFFFFFFF  }
0xb5: {  	_ =	strace $0x90000048  }
0xb6: {  	_ =	sfence  }
0xb7: {  	s30 =	sld [smem:$0x0];
	_ =	sdelay $0x2  }
0xb8: {  	s31 =	sshll.u32 s1, $0xD;
	s1 =	sshrl.u32 s1, $0x2  }
0xb9: {  	s3 =	sand.u32 $0x4000, s31;
	s1 =	sadd.s32 s1, s30  }
0xba: {  	s0 =	sor.u32 s3, s0;
	s1 =	sshll.u32 s1, $0x11  }
0xbb: {  	s0 =	sor.u32 s1, s0  }
0xbc: {  	s0 =	sadd.s32 $0x8F2B, s0  }
0xbd: {  	[sflag:s0] =	ssyncadd.remote.s32 $0x1  }
0xbe: {  	_ =	sfence.sel $0xFFFF  }
0xbf: {  	[dreg:$0x0] =	wrdreg $0xFFFFFFFF;
	(pc) =	sbr.abs _section_cstart, $3  }
0xc0: {  	[dreg:$0x1] =	wrdreg $0xFFFFFFFF  }
0xc1: {  	_ =	task.clear_ibuf [dreg:s7], $0x2FFFF;
	_ =	strace $0x9FFFFFFF  }
0xc2: {  	(tm) =	ssettm $0x7FFFFFFF  }
0xc3: {  	_ =	shalt  }
tec
execute0_lowered:
.L_overlay_start_1:
0x0: {  	(tag) =	ssettag $0x1  }
0x1: {  	s7 =	rddreg [dreg:$0x0]  }
0x2: {  	s2 =	rddreg [dreg:$0x1]  }
0x3: {  	s0 =	rddreg [dreg:$0x2]  }
0x4: {  	s1 =	srdreg.scid;
	_ =	strace $0x80000047;
	s4 =	simm.s32 $0x1  }
0x5: {  	s9 =	simm.s32 $0x3;
	s11 =	simm.s32 $0x0;
	s5 =	sshll.u32 s1, $0x4  }
.Ltmp0:
0x6: {  	s1 =	stileid.u32;
	s5 =	sand.u32 $0x10, s5;
	(pc) =	sbr.rel .LBB2_1-.Ltmp0, $4  }
0x7: {  	p0 =	por $0x0, $0x0;
	s3 =	sadd.s32 $0x2200, s7;
	s6 =	sor.u32 s1, s5  }
0x8: {  	[sflag:s4] =	ssyncpa.u1 $0x0;
	s5 =	simm.s32 $0x2;
	s6 =	sshll.u32 s6, $0x9  }
0x9: {  	s7 =	sadd.s32 $0x188C00, s7;
	[sflag:s5] =	ssyncpa.u1 $0x0;
	s8 =	sadd.s32 $0x200, s6  }
0xa: {  	vm0 =	vmmov $0xff;
	vm1 =	vcmask $0x3F20;
	[sflag:s9] =	ssyncpa.u1 $0x0;
	s10 =	smov.u32 s6;
	s9 =	simm.s32 $0x0  }
.LBB2_7:
0xb: {  	p1 =	slt.u32 s9, $0x2;
	s11 =	sadd.s32 $0x100, s10  }
0xc: {  	s13 =	smov.u32 s6;
	s9 =	sadd.s32 $0x1, s9;
	p2 =	slt.s32 s11, s8  }
0xd: {  	s13 =	smov.u32 @p2 s11;
	p2 =	sne.s32 s9, $0x4  }
.Ltmp1:
0xe: {  	_ = 	snop;
	(pc) =	sbr.rel @!p2 .LBB2_8-.Ltmp1, $4  }
0xf: {  	s12 =	simm.s32 @!p1 $0x3  }
0x10: {  	_ =	swait.ge @!p1 [sflag:s12], $0x8000  }
0x11: {  	p0 =	por !p0, !p0;
	[sflag:s12] =	ssyncset.done @!p1 $0x0  }
0x12: {  	s11 =	smov.u32 s10;
	s10 =	smov.u32 s13;
	[sflag:s12] =	ssyncadd.s32 @!p1 $0xFFFF8000  }
.LBB2_1:
0x13: {  	p1 =	sgt.u32 s9, $0x1  }
0x14: {  	s12 =	sshll.u32 @!p1 s9, $0x8;
	s13 =	sshrl.u32 @!p1 s10, $0x3  }
0x15: {  	s14 =	sand.u32 @!p1 $0x7, s10;
	s12 =	sxor.u32 @!p1 $0x100, s12;
	s13 =	sadd.s32 @!p1 s2, s13  }
0x16: {  	[tilespmem:s12], [sflag:$0x2] =	stream.linear.gather @!p1 [hbm4b:s13+s14], $0x100, $0x38;
	[tilespmem:$0x10200] =	vst v63  }
0x17: {  	p1 =	seq.s32 s9, $0x0  }
0x18: {  	p2 =	seq.s32 @!p1 s9, $0x3  }
0x19: {  	p1 =	por p1, p2  }
.Ltmp2:
0x1a: {  	_ = 	snop;
	(pc) =	sbr.rel @p1 .LBB2_7-.Ltmp2, $1  }
0x1b: {  	_ =	sdelay $0x3  }
0x1c: {  	s12 =	simm.s32 $0x1  }
0x1d: {  	_ =	swait.ge [sflag:s5], $0x100;
	s12 =	simm.s32 @!p0 $0x0  }
0x1e: {  	[sflag:s5] =	ssyncset.done $0x0;
	s14 =	sshll.u32 s12, $0x8  }
0x1f: {  	[sflag:s5] =	ssyncadd.s32 $0xFFFFFF00;
	s13 =	sadd.s32 $0x0, s14  }
0x20: {  	v0 =	vld.msk [tilespmem:s13+$0x0 ss:$0x1], $0xffff;
	_ =	sdelay $0x4  }
0x21: {  	vm2 =	vgt.s32 v0, $0x0  }
0x22: {  	v0 =	vnsel vm2, $0x0, v0  }
0x23: {  	v0 =	vmin.u32 v0, $0x1869F  }
0x24: {  	v0 =	vshll.u32 v0, $0x4;
	_ =	sdelay $0x2  }
0x25: {  	s12 =	sshll.u32 s12, $0xF  }
0x26: {  	s12 =	sor.u32 $0x200, s12  }
0x27: {  	[tilespmem:s12], [sflag:$0x1] =	stream.indirect_vreg.gather [hbm:s3], $0x80, v0, vm0, $0x38;
	[tilespmem:$0x10200] =	vst v63  }
0x28: {  	s15 =	sadd.s32 $0x10, s14;
	s13 =	sadd.s32 $0x400, s12  }
0x29: {  	[tilespmem:s13], [sflag:$0x1] =	stream.indirect_vreg.gather [hbm:s3], $0x80, v0, vm1, $0x38;
	[tilespmem:$0x10200] =	vst v63  }
0x2a: {  	s16 =	simm.s32 $0x80;
	v0 =	vld.msk [tilespmem:s15+$0x0 ss:$0x1], $0xffff;
	s15 =	smov.u32 s12  }
.LBB2_3:
0x2b: {  	p1 =	sne.s32 s16, $0x3C0;
	_ =	sdelay $0x4  }
0x2c: {  	vm2 =	vgt.s32 v0, $0x0  }
0x2d: {  	v0 =	vnsel vm2, $0x0, v0  }
0x2e: {  	v0 =	vmin.u32 v0, $0x1869F  }
0x2f: {  	v0 =	vshll.u32 v0, $0x4;
	_ =	sdelay $0x3  }
.Ltmp3:
0x30: {  	s17 =	sshra.s32 s16, $0x2;
	s15 =	sadd.s32 $0x800, s15;
	(pc) =	sbr.rel @p1 .LBB2_3-.Ltmp3, $4  }
0x31: {  	[tilespmem:s15], [sflag:$0x1] =	stream.indirect_vreg.gather [hbm:s3], $0x80, v0, vm0, $0x38;
	[tilespmem:$0x10200] =	vst v63  }
0x32: {  	s17 =	sadd.s32 s17, s14;
	s18 =	sadd.s32 $0x400, s15  }
0x33: {  	[tilespmem:s18], [sflag:$0x1] =	stream.indirect_vreg.gather [hbm:s3], $0x80, v0, vm1, $0x38;
	[tilespmem:$0x10200] =	vst v63  }
0x34: {  	s16 =	sadd.s32 $0x40, s16;
	v0 =	vld.msk [tilespmem:s17+$0x0 ss:$0x1], $0xffff  }
0x35: {  	_ =	sdelay $0x3  }
0x36: {  	vm2 =	vgt.s32 v0, $0x0  }
0x37: {  	v0 =	vnsel vm2, $0x0, v0  }
0x38: {  	v0 =	vmin.u32 v0, $0x1869F  }
0x39: {  	v0 =	vshll.u32 v0, $0x4;
	_ =	sdelay $0x3  }
0x3a: {  	s14 =	sadd.s32 $0x800, s15  }
0x3b: {  	[tilespmem:s14], [sflag:$0x1] =	stream.indirect_vreg.gather [hbm:s3], $0x80, v0, vm0, $0x38;
	[tilespmem:$0x10200] =	vst v63  }
0x3c: {  	s14 =	sadd.s32 $0x400, s14  }
0x3d: {  	[tilespmem:s14], [sflag:$0x1] =	stream.indirect_vreg.gather [hbm:s3], $0x80, v0, vm1, $0x38;
	[tilespmem:$0x10200] =	vst v63  }
0x3e: {  	s11 =	sshll.u32 s11, $0x4;
	_ =	swait.ge [sflag:s4], $0x8000  }
0x3f: {  	s11 =	sadd.s32 s11, s7;
	[sflag:s4] =	ssyncset.done $0x0  }
0x40: {  	s15 =	sadd.s32 $0x0, s11;
	s14 =	simm.s32 $0x80;
	[sflag:s4] =	ssyncadd.s32 $0xFFFF8000  }
.LBB2_5:
0x41: {  	[hbm:s15] =	stream.linear.scatter [tilespmem:s12], [sflag:$0x3], $0x400, $0x38;
	[tilespmem:$0x10200] =	vst v63  }
0x42: {  	s15 =	smov.u32 s14;
	s12 =	smov.u32 s13;
	p1 =	sne.s32 s14, $0xF80  }
.Ltmp4:
0x43: {  	s14 =	sadd.s32 $0x80, s14;
	(pc) =	sbr.rel @p1 .LBB2_5-.Ltmp4, $2  }
0x44: {  	_ =	sdelay $0x2  }
0x45: {  	s13 =	sadd.s32 $0x400, s13;
	s15 =	sadd.s32 s15, s11  }
.Ltmp5:
0x46: {  	(pc) =	sbr.rel .LBB2_7-.Ltmp5, $2  }
0x47: {  	_ =	sdelay $0x2  }
0x48: {  	[hbm:s15] =	stream.linear.scatter [tilespmem:s12], [sflag:$0x3], $0x400, $0x38;
	[tilespmem:$0x10200] =	vst v63  }
.LBB2_8:
0x49: {  	_ =	sfence.sel $0x180000  }
0x4a: {  	s2 =	simm.s32 $0x2;
	[bflag:$0x0] =	sbarrier.arrive $0xFFFF  }
0x4b: {  	s30 =	simm.s32 $0x3;
	[sflag:s2] =	ssyncpa.u1 $0x1  }
0x4c: {  	s31 =	simm.s32 $0x1;
	[sflag:s30] =	ssyncpa.u1 $0x1  }
0x4d: {  	[sflag:s31] =	ssyncpa.u1 $0x1  }
0x4e: {  	p0 =	sne.s32 s1, $0x0;
	_ =	strace $0x90000047  }
0x4f: {  	s0 =	sadd.s32 @!p0 $0x100000, s0;
	[bflag:$0x2] =	sbarrier.arrive $0xFFFF  }
0x50: {  	[sflag:s0] =	ssyncadd.tile.s32 @!p0 $0x1;
	_ =	shalt  }
.Lfunc_end2:
_tile_overlayer_lowered:
.L_overlay_start_2:
0x51: {  	(tag) =	ssettag $0x2  }
0x52: {  	s0 =	rddreg [dreg:$0x0];
	s2 =	stileid.u32  }
0x53: {  	s1 =	rddreg [dreg:$0x1];
	p0 =	sne.s32 s2, $0x0  }
0x54: {  	s3 =	rddreg [dreg:$0x2];
	[bflag:$0x3] =	sbarrier.arrive $0xFFFF;
	s2 =	simm.s32 @!p0 $0x1C01  }
0x55: {  	[timem:s3], [sflag:s2] =	dma.local @!p0 [hbm:s0], s1  }
0x56: {  	s0 =	simm.s32 @!p0 $0x1  }
0x57: {  	_ =	swait.ge @!p0 [sflag:s0], s1  }
0x58: {  	s1 =	ssub.s32 @!p0 $0x0, s1;
	[sflag:s0] =	ssyncset.done @!p0 $0x0  }
0x59: {  	[sflag:s0] =	ssyncadd.s32 @!p0 s1  }
0x5a: {  	[bflag:$0x3] =	sbarrier.arrive $0xFFFF  }
0x5b: {  	_ =	shalt  }

// kernel: gather_offload_async_start
scs
__scs_entry_jumppad:
0x0: {  	(pc) =	sbr.rel $0x88, $3  }
0x1: {  	(tag) =	ssettag $0x0;
	lr =	simm.s32 $0x1  }
0x2: {  	[smem:$0x3F95] =	sst lr;
	_ =	strace $0xD0000000  }
0x3: {  	_ = 	snop  }
0x4: {  	_ = 	snop  }
0x5: {  	_ = 	snop  }
0x6: {  	_ = 	snop  }
0x7: {  	_ = 	snop  }
__scs_overlays_trampoline_lowered:
0x8: {  	[smem:$0x3FA4] =	sst s0  }
0x9: {  	[smem:$0x3FA5] =	sst s1  }
0xa: {  	[smem:$0x3FA6] =	sst s2  }
0xb: {  	[smem:$0x3FA7] =	sst s3  }
0xc: {  	[smem:$0x3FA8] =	sst s4  }
0xd: {  	[smem:$0x3FA9] =	sst s5  }
0xe: {  	[smem:$0x3FAA] =	sst s6  }
0xf: {  	[smem:$0x3FAB] =	sst s7  }
0x10: {  	[smem:$0x3FAC] =	sst s8  }
0x11: {  	[smem:$0x3FAD] =	sst s9;
	s0 =	simm.s32 @!p0 $0x0  }
0x12: {  	s1 =	sld [smem:$0x3F93];
	s0 =	simm.s32 @p0 $0x1  }
0x13: {  	[smem:$0x3FAE] =	sst s0;
	s0 =	simm.s32 @!p1 $0x0  }
0x14: {  	s2 =	sld [smem:$0x3F92];
	s0 =	simm.s32 @p1 $0x1  }
0x15: {  	[smem:$0x3FAF] =	sst s0;
	s0 =	simm.s32 @!p2 $0x0  }
0x16: {  	s3 =	sld [smem:$0x3FDB];
	s0 =	simm.s32 @p2 $0x1  }
0x17: {  	s4 =	simm.s32 $0x1BF5;
	[smem:$0x3FB1] =	sst s0  }
0x18: {  	s0 =	sld [smem:$0x3F94];
	_ =	swait.ge [sflag:s4], $0x0  }
0x19: {  	s7 =	sld [smem:$0x3F95]  }
0x1a: {  	s8 =	sadd.s32 $0xFFFFE003, lr  }
0x1b: {  	s9 =	sadd.s32 $0xFFFFFEF7, lr;
	s5 =	simm.s32 $0xFFFFFFFF;
	p2 =	slt.u32 s8, $0xFFFFF086  }
0x1c: {  	p1 =	slt.u32 s9, $0xF7A;
	s5 =	simm.s32 @!p2 $0x0  }
0x1d: {  	s5 =	simm.s32 @p1 $0x1;
	p0 =	seq.s32 s7, s2  }
0x1e: {  	s7 =	smul.u32 @!p0 $0xF7A, s2;
	p2 =	seq.s32 @!p0 s5, $0x0  }
0x1f: {  	s9 =	smul.u32 $0xF7A, s1;
	s8 =	simm.s32 @!p0 $0x1BF5;
	p2 =	por !p2, p0  }
0x20: {  	[sflag:s8] =	ssyncset.s32 @!p0 $0xFFFFF086;
	s6 =	sadd.s32 @!p0 s3, s7;
	s7 =	simm.s32 @!p0 $0x108  }
0x21: {  	s3 =	sadd.s32 s3, s9;
	s6 =	sadd.s32 @!p0 $0x88, s6;
	s7 =	simm.s32 @p2 $0x1082  }
0x22: {  	[simem:s7], [sflag:s8] =	dma.local @!p0 [hbm:s6], $0xF7A  }
0x23: {  	s9 =	sor.u32 $0xD0000000, s2;
	s6 =	simm.s32 $0x108;
	_ =	swait.ge @!p0 [sflag:s8], $0x0  }
0x24: {  	s3 =	sadd.s32 $0x88, s3;
	s6 =	simm.s32 @!p1 $0x1082;
	[sflag:s4] =	ssyncset.s32 $0xFFFFF086  }
0x25: {  	[simem:s6], [sflag:s4] =	dma.local [hbm:s3], $0xF7A  }
0x26: {  	[smem:$0x3F95] =	sst s1;
	(tag) =	ssettag s2;
	_ =	strace s9  }
0x27: {  	s1 =	sld [smem:$0x3FA5]  }
0x28: {  	s2 =	sld [smem:$0x3FA6]  }
0x29: {  	s4 =	sld [smem:$0x3FA8]  }
0x2a: {  	p0 =	seq.s32 s5, $0x0;
	s5 =	sld [smem:$0x3FA9]  }
0x2b: {  	s6 =	sld [smem:$0x3FAA]  }
0x2c: {  	s7 =	sld [smem:$0x3FAB]  }
0x2d: {  	s3 =	simm.s32 $0x108;
	s8 =	sld [smem:$0x3FAC]  }
0x2e: {  	s3 =	simm.s32 @!p0 $0x1082;
	s9 =	sld [smem:$0x3FAD]  }
0x2f: {  	lr =	sadd.s32 s0, s3;
	s0 =	sld [smem:$0x3FA4]  }
0x30: {  	s3 =	sld [smem:$0x3FA7]  }
0x31: {  	[smem:$0x3FB0] =	sst s10  }
0x32: {  	s10 =	sld [smem:$0x3FAE];
	_ =	sdelay $0x3  }
0x33: {  	p0 =	seq.s32 s10, $0x1;
	s10 =	sld [smem:$0x3FB0];
	_ =	sdelay $0x3  }
0x34: {  	[smem:$0x3FB0] =	sst s10  }
0x35: {  	s10 =	sld [smem:$0x3FAF];
	_ =	sdelay $0x3  }
0x36: {  	p1 =	seq.s32 s10, $0x1;
	s10 =	sld [smem:$0x3FB0];
	_ =	sdelay $0x3  }
0x37: {  	[smem:$0x3FB0] =	sst s10  }
0x38: {  	s10 =	sld [smem:$0x3FB1]  }
0x39: {  	_ = 	snop;
	(pc) =	sbr.ind lr, $3  }
0x3a: {  	_ = 	snop  }
0x3b: {  	_ = 	snop  }
0x3c: {  	p2 =	seq.s32 s10, $0x1;
	s10 =	sld [smem:$0x3FB0]  }
0x3d: {  	_ =	shalt  }
0x3e: {  	_ =	shalt  }
0x3f: {  	_ =	shalt  }
0x40: {  	_ =	shalt  }
0x41: {  	_ =	shalt  }
0x42: {  	_ =	shalt  }
0x43: {  	_ =	shalt  }
0x44: {  	_ =	shalt  }
0x45: {  	_ =	shalt  }
0x46: {  	_ =	shalt  }
0x47: {  	_ =	shalt  }
0x48: {  	_ =	shalt  }
0x49: {  	_ =	shalt  }
0x4a: {  	_ =	shalt  }
0x4b: {  	_ =	shalt  }
0x4c: {  	_ =	shalt  }
0x4d: {  	_ =	shalt  }
0x4e: {  	_ =	shalt  }
0x4f: {  	_ =	shalt  }
0x50: {  	_ =	shalt  }
0x51: {  	_ =	shalt  }
0x52: {  	_ =	shalt  }
0x53: {  	_ =	shalt  }
0x54: {  	_ =	shalt  }
0x55: {  	_ =	shalt  }
0x56: {  	_ =	shalt  }
0x57: {  	_ =	shalt  }
0x58: {  	_ =	shalt  }
0x59: {  	_ =	shalt  }
0x5a: {  	_ =	shalt  }
0x5b: {  	_ =	shalt  }
0x5c: {  	_ =	shalt  }
0x5d: {  	_ =	shalt  }
0x5e: {  	_ =	shalt  }
0x5f: {  	_ =	shalt  }
0x60: {  	_ =	shalt  }
0x61: {  	_ =	shalt  }
0x62: {  	_ =	shalt  }
0x63: {  	_ =	shalt  }
0x64: {  	_ =	shalt  }
0x65: {  	_ =	shalt  }
0x66: {  	_ =	shalt  }
0x67: {  	_ =	shalt  }
0x68: {  	_ =	shalt  }
0x69: {  	_ =	shalt  }
0x6a: {  	_ =	shalt  }
0x6b: {  	_ =	shalt  }
0x6c: {  	_ =	shalt  }
0x6d: {  	_ =	shalt  }
0x6e: {  	_ =	shalt  }
0x6f: {  	_ =	shalt  }
0x70: {  	_ =	shalt  }
0x71: {  	_ =	shalt  }
0x72: {  	_ =	shalt  }
0x73: {  	_ =	shalt  }
0x74: {  	_ =	shalt  }
0x75: {  	_ =	shalt  }
0x76: {  	_ =	shalt  }
0x77: {  	_ =	shalt  }
0x78: {  	_ =	shalt  }
0x79: {  	_ =	shalt  }
0x7a: {  	_ =	shalt  }
0x7b: {  	_ =	shalt  }
0x7c: {  	_ =	shalt  }
0x7d: {  	_ =	shalt  }
0x7e: {  	_ =	shalt  }
0x7f: {  	_ =	shalt  }
0x80: {  	_ =	shalt  }
0x81: {  	_ =	shalt  }
0x82: {  	_ =	shalt  }
0x83: {  	_ =	shalt  }
0x84: {  	_ =	shalt  }
0x85: {  	_ =	shalt  }
0x86: {  	_ =	shalt  }
0x87: {  	_ =	shalt  }
.Lfunc_end0:
.L_simem_size_0:
called_computation_lowered:
.L_overlay_start_0:
0x88: {  	s2 =	sld [smem:$0x3FD9]  }
0x89: {  	s3 =	sld [smem:$0x3FFE];
	_ =	sdelay $0x1  }
0x8a: {  	s1 =	srdreg.scid  }
0x8b: {  	s0 =	sand.u32 $0x1, s1  }
0x8c: {  	s17 =	sshll.u32 s0, $0xA;
	s2 =	sadd.s32 s3, s2  }
0x8d: {  	s2 =	sadd.s32 s2, s17  }
0x8e: {  	[smem:$0x3FBC] =	sst s2  }
0x8f: {  	_ = 	snop  }
0x90: {  	s18 =	sld [smem:$0x3FC4];
	(tm) =	ssettm $0x1  }
0x91: {  	s19 =	sld [smem:$0x3FFB];
	_ =	sdelay $0x3  }
0x92: {  	_ =	strace s19  }
0x93: {  	s2 =	sld [smem:$0x3FFC];
	_ =	sdelay $0x3  }
0x94: {  	_ =	strace s2  }
0x95: {  	s2 =	sld [smem:$0x3FFD];
	_ =	sdelay $0x3  }
0x96: {  	_ =	strace s2  }
0x97: {  	_ =	strace $0x8FFFFFFF  }
0x98: {  	s20 =	sld [smem:$0x3FDB];
	_ =	sdelay $0x1  }
0x99: {  	s4 =	simm.s32 $_scs_section_size  }
0x9a: {  	s5 =	simm.s32 $_size__tile_overlayer_lowered;
	s6 =	simm.s32 $_tile_overlayer_lowered  }
0x9b: {  	s7 =	simm.s32 $0x1BFF;
	s21 =	sshll.u32 s6, $0x1;
	s4 =	sadd.s32 s4, s20  }
0x9c: {  	s22 =	simm.s32 $0x0;
	s5 =	sshll.u32 s5, $0x1;
	s6 =	sadd.s32 s21, s4  }
0x9d: {  	[timem:s22], [sflag:s7] =	dma.local [hbm:s6], s5  }
0x9e: {  	_ =	swait.ge [sflag:s7], s5  }
0x9f: {  	s5 =	ssub.s32 $0x0, s5;
	[sflag:s7] =	ssyncset.done $0x0  }
0xa0: {  	[sflag:s7] =	ssyncadd.s32 s5;
	_ =	sdelay $0x1  }
0xa1: {  	s23 =	simm.s32 $0x1B8B  }
0xa2: {  	_ =	swait.ge [sflag:s23], $0x1  }
0xa3: {  	[sflag:s23] =	ssyncset.done $0x0  }
0xa4: {  	[sflag:s23] =	ssyncadd.s32 $0xFFFFFFFF  }
0xa5: {  	s5 =	sld [smem:$0x0]  }
0xa6: {  	s6 =	sand.u32 $0xFFFFFFFE, s1  }
0xa7: {  	p0 =	sne.s32 s1, s6  }
0xa8: {  	s6 =	sshll.u32 @p0 s6, $0xE  }
0xa9: {  	s6 =	sadd.s32 @p0 $0x11B8D, s6;
	s7 =	sshll.u32 @p0 s5, $0x11  }
0xaa: {  	s6 =	sor.u32 @p0 s7, s6  }
0xab: {  	[sflag:s6] =	ssyncadd.remote.s32 @p0 $0x1;
	_ =	sdelay $0x1  }
0xac: {  	s6 =	simm.s32 @p0 $0x1B8D  }
0xad: {  	_ =	swait.eq @p0 [sflag:s6], $0x1  }
0xae: {  	[sflag:s6] =	ssyncadd.s32 @p0 $0xFFFFFFFF  }
0xaf: {  	s7 =	sshll.u32 @!p0 s1, $0xE  }
0xb0: {  	s7 =	sor.u32 @!p0 $0x4000, s7;
	s6 =	simm.s32 @!p0 $0x1B8D  }
0xb1: {  	s5 =	sshll.u32 @!p0 s5, $0x11;
	s7 =	sadd.s32 @!p0 $0x11B8D, s7;
	_ =	swait.eq @!p0 [sflag:s6], $0x1  }
0xb2: {  	s5 =	sor.u32 @!p0 s5, s7;
	[sflag:s6] =	ssyncadd.s32 @!p0 $0xFFFFFFFF  }
0xb3: {  	s25 =	simm.s32 $0x1B8E;
	s24 =	sld [smem:$0x3FFE];
	[sflag:s5] =	ssyncadd.remote.s32 @!p0 $0x1  }
0xb4: {  	s26 =	simm.s32 $execute0_lowered;
	[smem:$0x3FD2] =	sst s25  }
0xb5: {  	s6 =	sshll.u32 s26, $0x1;
	_ =	strace $0x80000049;
	[dreg:$0x1] =	wrdreg $0xFFFFFFFF  }
0xb6: {  	s28 =	simm.s32 $_size_execute0_lowered;
	s4 =	sadd.s32 s4, s6;
	[dreg:$0x0] =	wrdreg $0x0  }
0xb7: {  	s6 =	sshll.u32 s28, $0x1;
	[dreg:$0x2] =	wrdreg s4  }
0xb8: {  	[dreg:$0x3] =	wrdreg s6  }
0xb9: {  	[dreg:$0x4] =	wrdreg $0xC0  }
0xba: {  	_ =	task [dreg:s22], $0x5FFFF  }
0xbb: {  	[dreg:$0x1] =	wrdreg $0xFFFFFFFF  }
0xbc: {  	[dreg:$0x0] =	wrdreg $0x60  }
0xbd: {  	[dreg:$0x2] =	wrdreg s18  }
0xbe: {  	[dreg:$0x3] =	wrdreg s24  }
0xbf: {  	[dreg:$0x4] =	wrdreg $0x9  }
0xc0: {  	_ =	task.clear_ibuf [dreg:s22], $0x5FFFF;
	_ =	strace $0x90000049  }
0xc1: {  	s29 =	simm.s32 $0x9;
	_ =	strace $0x8000004B  }
0xc2: {  	_ =	swait.ge [sflag:s29], $0x1  }
0xc3: {  	[sflag:s29] =	ssyncadd.s32 $0xFFFFFFFF  }
0xc4: {  	_ =	strace $0x9000004B  }
0xc5: {  	_ =	sfence  }
0xc6: {  	s30 =	sld [smem:$0x0];
	_ =	sdelay $0x2  }
0xc7: {  	s31 =	sshll.u32 s1, $0xD;
	s1 =	sshrl.u32 s1, $0x2  }
0xc8: {  	s4 =	sand.u32 $0x4000, s31;
	s1 =	sadd.s32 s1, s30  }
0xc9: {  	s0 =	sor.u32 s4, s0;
	s1 =	sshll.u32 s1, $0x11  }
0xca: {  	s0 =	sor.u32 s1, s0  }
0xcb: {  	s0 =	sadd.s32 $0x8F2B, s0  }
0xcc: {  	[sflag:s0] =	ssyncadd.remote.s32 $0x1  }
0xcd: {  	_ =	sfence.sel $0xFFFF  }
0xce: {  	[dreg:$0x0] =	wrdreg $0xFFFFFFFF;
	(pc) =	sbr.abs _section_cstart, $3  }
0xcf: {  	[dreg:$0x1] =	wrdreg $0xFFFFFFFF  }
0xd0: {  	_ =	task.clear_ibuf [dreg:s22], $0x2FFFF;
	_ =	strace $0x9FFFFFFF  }
0xd1: {  	(tm) =	ssettm $0x7FFFFFFF  }
tec
execute0_lowered:
.L_overlay_start_1:
0x0: {  	(tag) =	ssettag $0x1  }
0x1: {  	s1 =	srdreg.scid;
	s2 =	rddreg [dreg:$0x0]  }
0x2: {  	s0 =	stileid.u32;
	s10 =	rddreg [dreg:$0x1];
	s5 =	simm.s32 $0x2  }
0x3: {  	s11 =	simm.s32 $0x3;
	s12 =	simm.s32 $0x0;
	s1 =	sshll.u32 s1, $0x9  }
0x4: {  	s14 =	simm.s32 $0x0;
	s3 =	sshll.u32 s0, $0xA;
	s1 =	sand.u32 $0x200, s1  }
0x5: {  	s13 =	simm.s32 $0x0;
	s6 =	sadd.s32 $0x1C9400, s10;
	s3 =	sor.u32 s3, s1  }
0x6: {  	s1 =	rddreg [dreg:$0x2];
	_ =	strace $0x8000004A;
	s4 =	sshrl.u32 s3, $0x3  }
0x7: {  	s7 =	ssub.s32 $0x4000, s3;
	s8 =	sadd.s32 s4, s10;
	s4 =	simm.s32 $0x1  }
.Ltmp0:
0x8: {  	s9 =	sand.u32 $0x3E00, s7;
	s7 =	sshrl.u32 s7, $0xE;
	(pc) =	sbr.rel .LBB2_1-.Ltmp0, $4  }
0x9: {  	[sflag:s4] =	ssyncpa.u1 $0x0;
	p0 =	sne.s32 s9, $0x0;
	s9 =	simm.s32 $0x1  }
0xa: {  	s8 =	sadd.s32 $0x1C8C00, s8;
	[sflag:s5] =	ssyncpa.u1 $0x0;
	s9 =	simm.s32 @!p0 $0x0  }
0xb: {  	p0 =	por $0x0, $0x0;
	[sflag:s11] =	ssyncpa.u1 $0x0;
	s7 =	sadd.s32 s9, s7  }
0xc: {  	vm0 =	vmmov $0xffff;
	s9 =	sadd.s32 $0x1CD400, s10;
	s10 =	sadd.s32 $0x1D1400, s10;
	s11 =	sadd.s32 $0x1, s7  }
.LBB2_4:
0xd: {  	_ =	sdelay $0x3  }
0xe: {  	[tilespmem:s20], [sflag:$0x1] =	stream.indirect_vreg.gather [hbm4b:s2+s12], $0x1, v0, vm0, $0x4038;
	[tilespmem:$0x6400] =	vst v63  }
0xf: {  	s17 =	sshll.u32 s14, $0x3  }
0x10: {  	s26 =	sand.u32 $0x78, s14;
	s17 =	sand.u32 $0x7FFFFC00, s17  }
0x11: {  	_ =	swait.ge [sflag:s4], $0x3000;
	s14 =	sor.u32 s26, s17  }
0x12: {  	[sflag:s4] =	ssyncset.done $0x0;
	s14 =	sshrl.u32 s14, $0x3  }
0x13: {  	[sflag:s4] =	ssyncadd.s32 $0xFFFFD000;
	s28 =	sadd.s32 s6, s14  }
0x14: {  	[hbm:s28] =	stream.linear.scatter [tilespmem:s16], [sflag:$0x3], $0x1000, $0x38;
	[tilespmem:$0x6400] =	vst v63  }
0x15: {  	s29 =	sadd.s32 $0x1400, s15;
	s30 =	sadd.s32 s14, s9  }
0x16: {  	[hbm:s30] =	stream.linear.scatter [tilespmem:s29], [sflag:$0x3], $0x1000, $0x38;
	[tilespmem:$0x6400] =	vst v63  }
0x17: {  	s31 =	sadd.s32 $0x2400, s15;
	s14 =	sadd.s32 s14, s10  }
0x18: {  	[hbm:s14] =	stream.linear.scatter [tilespmem:s31], [sflag:$0x3], $0x1000, $0x38;
	[tilespmem:$0x6400] =	vst v63  }
.LBB2_5:
0x19: {  	p2 =	sne.s32 s13, s11  }
.Ltmp1:
0x1a: {  	p1 =	slt.u32 s13, $0x2;
	(pc) =	sbr.rel @!p2 .LBB2_6-.Ltmp1, $4  }
0x1b: {  	s14 =	simm.s32 @!p1 $0x3  }
0x1c: {  	_ =	swait.ge @!p1 [sflag:s14], $0x3000  }
0x1d: {  	s15 =	sadd.s32 $0x1, s13;
	p0 =	por !p0, !p0;
	[sflag:s14] =	ssyncset.done @!p1 $0x0  }
0x1e: {  	s13 =	smov.u32 s15;
	[sflag:s14] =	ssyncadd.s32 @!p1 $0xFFFFD000;
	s14 =	smov.u32 s3  }
.LBB2_1:
0x1f: {  	p1 =	sge.u32 s13, s7  }
0x20: {  	s15 =	sxor.u32 @!p1 $0xFFFFFFFF, s13  }
0x21: {  	s15 =	sshll.u32 @!p1 s15, $0x9  }
0x22: {  	s31 =	sadd.s32 $0xFFFFFFFF, s13;
	s16 =	simm.s32 @!p1 $0x0;
	s15 =	sand.u32 @!p1 $0x200, s15  }
0x23: {  	[tilespmem:s15], [sflag:$0x2] =	stream.linear.gather @!p1 [hbm4b:s8+s16], $0x200, $0x38;
	[tilespmem:$0x6400] =	vst v63  }
0x24: {  	p1 =	sge.u32 s31, s7  }
.Ltmp2:
0x25: {  	_ = 	snop;
	(pc) =	sbr.rel @p1 .LBB2_5-.Ltmp2, $1  }
0x26: {  	_ =	sdelay $0x3  }
0x27: {  	s15 =	simm.s32 $0x1;
	_ =	swait.ge [sflag:s5], $0x200  }
0x28: {  	s15 =	simm.s32 @!p0 $0x0;
	[sflag:s5] =	ssyncset.done $0x0  }
0x29: {  	s18 =	sshll.u32 s15, $0x9;
	[sflag:s5] =	ssyncadd.s32 $0xFFFFFE00  }
0x2a: {  	v0 =	vld.msk [tilespmem:s18+$0x0 ss:$0x1], $0xffff;
	_ =	sdelay $0x4  }
0x2b: {  	vm1 =	vgt.s32 v0, $0x0  }
0x2c: {  	v0 =	vnsel vm1, $0x0, v0  }
0x2d: {  	v0 =	vmin.u32 v0, $0xF423F  }
0x2e: {  	s21 =	sand.u32 $0x1, s13;
	v1 =	vshll.u32 v0, $0x3  }
0x2f: {  	s15 =	smul.u32 $0xC000, s21;
	v0 =	vand.u32 $0x7F, v0;
	v1 =	vand.u32 $0x7FFC00, v1  }
0x30: {  	v0 =	vor.u32 v0, v1  }
0x31: {  	s17 =	simm.s32 $0x0;
	s15 =	sshrl.u32 s15, $0x2  }
0x32: {  	s19 =	sand.u32 $0xC00, s17;
	s16 =	sor.u32 $0x400, s15  }
0x33: {  	s20 =	sand.u32 $0x70, s17;
	(ifvalue) =	ssetifvalue $0x7FFFFFFF;
	s19 =	sadd.s32 s19, s16;
	v1 =	vor.u32 $0x80, v0  }
0x34: {  	(ifvalue) =	ssetifvalue $0x7FFFFFFF;
	s19 =	sadd.s32 s20, s19  }
0x35: {  	[tilespmem:s19], [sflag:$0x1] =	stream.indirect_vreg.gather [hbm4b:s2+s12], $0x1, v0, vm0, $0x4038;
	[tilespmem:$0x6400] =	vst v63  }
0x36: {  	v2 =	vor.u32 $0x100, v0;
	(ifvalue) =	ssetifvalue $0x7FFFFFFF  }
0x37: {  	s20 =	sadd.s32 $0x80, s19;
	(ifvalue) =	ssetifvalue $0x7FFFFFFF  }
0x38: {  	[tilespmem:s20], [sflag:$0x1] =	stream.indirect_vreg.gather [hbm4b:s2+s12], $0x1, v1, vm0, $0x4038;
	[tilespmem:$0x6400] =	vst v63  }
0x39: {  	v1 =	vor.u32 $0x180, v0;
	(ifvalue) =	ssetifvalue $0x7FFFFFFF  }
0x3a: {  	s22 =	sadd.s32 $0x100, s19;
	(ifvalue) =	ssetifvalue $0x7FFFFFFF  }
0x3b: {  	[tilespmem:s22], [sflag:$0x1] =	stream.indirect_vreg.gather [hbm4b:s2+s12], $0x1, v2, vm0, $0x4038;
	[tilespmem:$0x6400] =	vst v63  }
0x3c: {  	v2 =	vor.u32 $0x200, v0;
	(ifvalue) =	ssetifvalue $0x7FFFFFFF  }
0x3d: {  	s23 =	sadd.s32 $0x180, s19;
	(ifvalue) =	ssetifvalue $0x7FFFFFFF  }
0x3e: {  	[tilespmem:s23], [sflag:$0x1] =	stream.indirect_vreg.gather [hbm4b:s2+s12], $0x1, v1, vm0, $0x4038;
	[tilespmem:$0x6400] =	vst v63  }
0x3f: {  	(ifvalue) =	ssetifvalue $0x7FFFFFFF;
	v1 =	vor.u32 $0x280, v0  }
0x40: {  	s24 =	sadd.s32 $0x200, s19;
	(ifvalue) =	ssetifvalue $0x7FFFFFFF  }
0x41: {  	[tilespmem:s24], [sflag:$0x1] =	stream.indirect_vreg.gather [hbm4b:s2+s12], $0x1, v2, vm0, $0x4038;
	[tilespmem:$0x6400] =	vst v63  }
0x42: {  	(ifvalue) =	ssetifvalue $0x7FFFFFFF;
	v2 =	vor.u32 $0x300, v0  }
0x43: {  	s25 =	sadd.s32 $0x280, s19;
	(ifvalue) =	ssetifvalue $0x7FFFFFFF  }
0x44: {  	[tilespmem:s25], [sflag:$0x1] =	stream.indirect_vreg.gather [hbm4b:s2+s12], $0x1, v1, vm0, $0x4038;
	[tilespmem:$0x6400] =	vst v63  }
0x45: {  	(ifvalue) =	ssetifvalue $0x7FFFFFFF;
	v1 =	vor.u32 $0x380, v0  }
0x46: {  	s17 =	sor.u32 s17, s17;
	s26 =	sadd.s32 $0x300, s19;
	(ifvalue) =	ssetifvalue $0x7FFFFFFF  }
0x47: {  	[tilespmem:s26], [sflag:$0x1] =	stream.indirect_vreg.gather [hbm4b:s2+s12], $0x1, v2, vm0, $0x4038;
	[tilespmem:$0x6400] =	vst v63  }
0x48: {  	s17 =	sor.u32 $0x380, s17;
	(ifvalue) =	ssetifvalue $0x7FFFFFFF;
	v2 =	vadd.s32 $0x7A1400, v0  }
0x49: {  	s17 =	sadd.s32 s17, s16;
	(ifvalue) =	ssetifvalue $0x7FFFFFFF  }
0x4a: {  	[tilespmem:s17], [sflag:$0x1] =	stream.indirect_vreg.gather [hbm4b:s2+s12], $0x1, v1, vm0, $0x4038;
	[tilespmem:$0x6400] =	vst v63  }
0x4b: {  	(ifvalue) =	ssetifvalue $0x7FFFFFFF;
	v1 =	vadd.s32 $0x7A1480, v0  }
0x4c: {  	s28 =	sadd.s32 $0x1000, s19;
	(ifvalue) =	ssetifvalue $0x7FFFFFFF  }
0x4d: {  	[tilespmem:s28], [sflag:$0x1] =	stream.indirect_vreg.gather [hbm4b:s2+s12], $0x1, v2, vm0, $0x4038;
	[tilespmem:$0x6400] =	vst v63  }
0x4e: {  	(ifvalue) =	ssetifvalue $0x7FFFFFFF;
	v2 =	vadd.s32 $0x7A1500, v0  }
0x4f: {  	s29 =	sadd.s32 $0x1080, s19;
	(ifvalue) =	ssetifvalue $0x7FFFFFFF  }
0x50: {  	[tilespmem:s29], [sflag:$0x1] =	stream.indirect_vreg.gather [hbm4b:s2+s12], $0x1, v1, vm0, $0x4038;
	[tilespmem:$0x6400] =	vst v63  }
0x51: {  	(ifvalue) =	ssetifvalue $0x7FFFFFFF;
	v1 =	vadd.s32 $0x7A1580, v0  }
0x52: {  	s30 =	sadd.s32 $0x1100, s19;
	(ifvalue) =	ssetifvalue $0x7FFFFFFF  }
0x53: {  	[tilespmem:s30], [sflag:$0x1] =	stream.indirect_vreg.gather [hbm4b:s2+s12], $0x1, v2, vm0, $0x4038;
	[tilespmem:$0x6400] =	vst v63  }
0x54: {  	(ifvalue) =	ssetifvalue $0x7FFFFFFF;
	v2 =	vadd.s32 $0x7A1600, v0  }
0x55: {  	s31 =	sadd.s32 $0x1180, s19;
	(ifvalue) =	ssetifvalue $0x7FFFFFFF  }
0x56: {  	[tilespmem:s31], [sflag:$0x1] =	stream.indirect_vreg.gather [hbm4b:s2+s12], $0x1, v1, vm0, $0x4038;
	[tilespmem:$0x6400] =	vst v63  }
0x57: {  	(ifvalue) =	ssetifvalue $0x7FFFFFFF;
	v1 =	vadd.s32 $0x7A1680, v0  }
0x58: {  	s20 =	sadd.s32 $0x1200, s19;
	(ifvalue) =	ssetifvalue $0x7FFFFFFF  }
0x59: {  	[tilespmem:s20], [sflag:$0x1] =	stream.indirect_vreg.gather [hbm4b:s2+s12], $0x1, v2, vm0, $0x4038;
	[tilespmem:$0x6400] =	vst v63  }
0x5a: {  	(ifvalue) =	ssetifvalue $0x7FFFFFFF;
	v2 =	vadd.s32 $0x7A1700, v0  }
0x5b: {  	s21 =	sadd.s32 $0x1280, s19;
	(ifvalue) =	ssetifvalue $0x7FFFFFFF  }
0x5c: {  	[tilespmem:s21], [sflag:$0x1] =	stream.indirect_vreg.gather [hbm4b:s2+s12], $0x1, v1, vm0, $0x4038;
	[tilespmem:$0x6400] =	vst v63  }
0x5d: {  	(ifvalue) =	ssetifvalue $0x7FFFFFFF;
	v1 =	vadd.s32 $0x7A1780, v0  }
0x5e: {  	s22 =	sadd.s32 $0x1300, s19;
	(ifvalue) =	ssetifvalue $0x7FFFFFFF  }
0x5f: {  	[tilespmem:s22], [sflag:$0x1] =	stream.indirect_vreg.gather [hbm4b:s2+s12], $0x1, v2, vm0, $0x4038;
	[tilespmem:$0x6400] =	vst v63  }
0x60: {  	(ifvalue) =	ssetifvalue $0x7FFFFFFF;
	v2 =	vadd.s32 $0xF42800, v0  }
0x61: {  	s23 =	sadd.s32 $0x1380, s19;
	(ifvalue) =	ssetifvalue $0x7FFFFFFF  }
0x62: {  	[tilespmem:s23], [sflag:$0x1] =	stream.indirect_vreg.gather [hbm4b:s2+s12], $0x1, v1, vm0, $0x4038;
	[tilespmem:$0x6400] =	vst v63  }
0x63: {  	(ifvalue) =	ssetifvalue $0x7FFFFFFF;
	v1 =	vadd.s32 $0xF42880, v0  }
0x64: {  	s24 =	sadd.s32 $0x2000, s19;
	(ifvalue) =	ssetifvalue $0x7FFFFFFF  }
0x65: {  	[tilespmem:s24], [sflag:$0x1] =	stream.indirect_vreg.gather [hbm4b:s2+s12], $0x1, v2, vm0, $0x4038;
	[tilespmem:$0x6400] =	vst v63  }
0x66: {  	(ifvalue) =	ssetifvalue $0x7FFFFFFF;
	v2 =	vadd.s32 $0xF42900, v0  }
0x67: {  	s25 =	sadd.s32 $0x2080, s19;
	(ifvalue) =	ssetifvalue $0x7FFFFFFF  }
0x68: {  	[tilespmem:s25], [sflag:$0x1] =	stream.indirect_vreg.gather [hbm4b:s2+s12], $0x1, v1, vm0, $0x4038;
	[tilespmem:$0x6400] =	vst v63  }
0x69: {  	(ifvalue) =	ssetifvalue $0x7FFFFFFF;
	v1 =	vadd.s32 $0xF42980, v0  }
0x6a: {  	s26 =	sadd.s32 $0x2100, s19;
	(ifvalue) =	ssetifvalue $0x7FFFFFFF  }
0x6b: {  	[tilespmem:s26], [sflag:$0x1] =	stream.indirect_vreg.gather [hbm4b:s2+s12], $0x1, v2, vm0, $0x4038;
	[tilespmem:$0x6400] =	vst v63  }
0x6c: {  	(ifvalue) =	ssetifvalue $0x7FFFFFFF;
	v2 =	vadd.s32 $0xF42A00, v0  }
0x6d: {  	s28 =	sadd.s32 $0x2180, s19;
	(ifvalue) =	ssetifvalue $0x7FFFFFFF  }
0x6e: {  	[tilespmem:s28], [sflag:$0x1] =	stream.indirect_vreg.gather [hbm4b:s2+s12], $0x1, v1, vm0, $0x4038;
	[tilespmem:$0x6400] =	vst v63  }
0x6f: {  	(ifvalue) =	ssetifvalue $0x7FFFFFFF;
	v1 =	vadd.s32 $0xF42A80, v0  }
0x70: {  	s29 =	sadd.s32 $0x2200, s19;
	(ifvalue) =	ssetifvalue $0x7FFFFFFF  }
0x71: {  	[tilespmem:s29], [sflag:$0x1] =	stream.indirect_vreg.gather [hbm4b:s2+s12], $0x1, v2, vm0, $0x4038;
	[tilespmem:$0x6400] =	vst v63  }
0x72: {  	(ifvalue) =	ssetifvalue $0x7FFFFFFF;
	v2 =	vadd.s32 $0xF42B00, v0  }
0x73: {  	s30 =	sadd.s32 $0x2280, s19;
	(ifvalue) =	ssetifvalue $0x7FFFFFFF  }
0x74: {  	[tilespmem:s30], [sflag:$0x1] =	stream.indirect_vreg.gather [hbm4b:s2+s12], $0x1, v1, vm0, $0x4038;
	[tilespmem:$0x6400] =	vst v63  }
0x75: {  	v0 =	vadd.s32 $0xF42B80, v0;
	(ifvalue) =	ssetifvalue $0x7FFFFFFF  }
0x76: {  	s31 =	sadd.s32 $0x2300, s19;
	(ifvalue) =	ssetifvalue $0x7FFFFFFF  }
0x77: {  	[tilespmem:s31], [sflag:$0x1] =	stream.indirect_vreg.gather [hbm4b:s2+s12], $0x1, v2, vm0, $0x4038;
	[tilespmem:$0x6400] =	vst v63  }
0x78: {  	s18 =	sadd.s32 $0x10, s18;
	s17 =	simm.s32 $0x10;
	(ifvalue) =	ssetifvalue $0x7FFFFFFF  }
0x79: {  	s20 =	sadd.s32 $0x2380, s19;
	s19 =	simm.s32 $0x80;
	(ifvalue) =	ssetifvalue $0x7FFFFFFF  }
.LBB2_3:
0x7a: {  	[tilespmem:s20], [sflag:$0x1] =	stream.indirect_vreg.gather [hbm4b:s2+s12], $0x1, v0, vm0, $0x4038;
	[tilespmem:$0x6400] =	vst v63  }
0x7b: {  	p1 =	sne.s32 s17, $0x1F0;
	s21 =	smov.u32 s17;
	s17 =	sadd.s32 $0x10, s17;
	v0 =	vld.msk [tilespmem:s18+$0x0 ss:$0x1], $0xffff  }
0x7c: {  	(ifvalue) =	ssetifvalue $0x7FFFFFFF;
	_ =	sdelay $0x4  }
0x7d: {  	vm1 =	vgt.s32 v0, $0x0  }
0x7e: {  	v0 =	vnsel vm1, $0x0, v0  }
0x7f: {  	v0 =	vmin.u32 v0, $0xF423F  }
0x80: {  	v1 =	vshll.u32 v0, $0x3  }
0x81: {  	v0 =	vand.u32 $0x7F, v0;
	v1 =	vand.u32 $0x7FFC00, v1  }
0x82: {  	v0 =	vor.u32 v0, v1;
	_ =	sdelay $0x1  }
0x83: {  	s20 =	sand.u32 $0xC00, s19  }
0x84: {  	s22 =	sand.u32 $0x70, s21;
	s20 =	sadd.s32 s20, s16;
	v1 =	vor.u32 $0x80, v0  }
0x85: {  	s20 =	sadd.s32 s22, s20;
	(ifvalue) =	ssetifvalue $0x7FFFFFFF  }
0x86: {  	[tilespmem:s20], [sflag:$0x1] =	stream.indirect_vreg.gather [hbm4b:s2+s12], $0x1, v0, vm0, $0x4038;
	[tilespmem:$0x6400] =	vst v63  }
0x87: {  	v2 =	vor.u32 $0x100, v0;
	(ifvalue) =	ssetifvalue $0x7FFFFFFF  }
0x88: {  	s22 =	sadd.s32 $0x80, s20;
	(ifvalue) =	ssetifvalue $0x7FFFFFFF  }
0x89: {  	[tilespmem:s22], [sflag:$0x1] =	stream.indirect_vreg.gather [hbm4b:s2+s12], $0x1, v1, vm0, $0x4038;
	[tilespmem:$0x6400] =	vst v63  }
0x8a: {  	v1 =	vor.u32 $0x180, v0;
	(ifvalue) =	ssetifvalue $0x7FFFFFFF  }
0x8b: {  	s22 =	sadd.s32 $0x100, s20;
	(ifvalue) =	ssetifvalue $0x7FFFFFFF  }
0x8c: {  	[tilespmem:s22], [sflag:$0x1] =	stream.indirect_vreg.gather [hbm4b:s2+s12], $0x1, v2, vm0, $0x4038;
	[tilespmem:$0x6400] =	vst v63  }
0x8d: {  	v2 =	vor.u32 $0x200, v0;
	(ifvalue) =	ssetifvalue $0x7FFFFFFF  }
0x8e: {  	s22 =	sadd.s32 $0x180, s20;
	(ifvalue) =	ssetifvalue $0x7FFFFFFF  }
0x8f: {  	[tilespmem:s22], [sflag:$0x1] =	stream.indirect_vreg.gather [hbm4b:s2+s12], $0x1, v1, vm0, $0x4038;
	[tilespmem:$0x6400] =	vst v63  }
0x90: {  	v1 =	vor.u32 $0x280, v0;
	(ifvalue) =	ssetifvalue $0x7FFFFFFF  }
0x91: {  	s22 =	sadd.s32 $0x200, s20;
	(ifvalue) =	ssetifvalue $0x7FFFFFFF  }
0x92: {  	[tilespmem:s22], [sflag:$0x1] =	stream.indirect_vreg.gather [hbm4b:s2+s12], $0x1, v2, vm0, $0x4038;
	[tilespmem:$0x6400] =	vst v63  }
0x93: {  	v2 =	vor.u32 $0x300, v0;
	(ifvalue) =	ssetifvalue $0x7FFFFFFF  }
0x94: {  	s22 =	sadd.s32 $0x280, s20;
	(ifvalue) =	ssetifvalue $0x7FFFFFFF  }
0x95: {  	[tilespmem:s22], [sflag:$0x1] =	stream.indirect_vreg.gather [hbm4b:s2+s12], $0x1, v1, vm0, $0x4038;
	[tilespmem:$0x6400] =	vst v63  }
0x96: {  	v1 =	vor.u32 $0x380, v0;
	(ifvalue) =	ssetifvalue $0x7FFFFFFF  }
0x97: {  	s21 =	sor.u32 s19, s21;
	s22 =	sadd.s32 $0x300, s20;
	(ifvalue) =	ssetifvalue $0x7FFFFFFF  }
0x98: {  	[tilespmem:s22], [sflag:$0x1] =	stream.indirect_vreg.gather [hbm4b:s2+s12], $0x1, v2, vm0, $0x4038;
	[tilespmem:$0x6400] =	vst v63  }
0x99: {  	s21 =	sor.u32 $0x380, s21;
	v2 =	vadd.s32 $0x7A1400, v0;
	(ifvalue) =	ssetifvalue $0x7FFFFFFF  }
0x9a: {  	s21 =	sadd.s32 s21, s16;
	(ifvalue) =	ssetifvalue $0x7FFFFFFF  }
0x9b: {  	[tilespmem:s21], [sflag:$0x1] =	stream.indirect_vreg.gather [hbm4b:s2+s12], $0x1, v1, vm0, $0x4038;
	[tilespmem:$0x6400] =	vst v63  }
0x9c: {  	v1 =	vadd.s32 $0x7A1480, v0;
	(ifvalue) =	ssetifvalue $0x7FFFFFFF  }
0x9d: {  	s21 =	sadd.s32 $0x1000, s20;
	(ifvalue) =	ssetifvalue $0x7FFFFFFF  }
0x9e: {  	[tilespmem:s21], [sflag:$0x1] =	stream.indirect_vreg.gather [hbm4b:s2+s12], $0x1, v2, vm0, $0x4038;
	[tilespmem:$0x6400] =	vst v63  }
0x9f: {  	v2 =	vadd.s32 $0x7A1500, v0;
	(ifvalue) =	ssetifvalue $0x7FFFFFFF  }
0xa0: {  	s21 =	sadd.s32 $0x1080, s20;
	(ifvalue) =	ssetifvalue $0x7FFFFFFF  }
0xa1: {  	[tilespmem:s21], [sflag:$0x1] =	stream.indirect_vreg.gather [hbm4b:s2+s12], $0x1, v1, vm0, $0x4038;
	[tilespmem:$0x6400] =	vst v63  }
0xa2: {  	v1 =	vadd.s32 $0x7A1580, v0;
	(ifvalue) =	ssetifvalue $0x7FFFFFFF  }
0xa3: {  	s21 =	sadd.s32 $0x1100, s20;
	(ifvalue) =	ssetifvalue $0x7FFFFFFF  }
0xa4: {  	[tilespmem:s21], [sflag:$0x1] =	stream.indirect_vreg.gather [hbm4b:s2+s12], $0x1, v2, vm0, $0x4038;
	[tilespmem:$0x6400] =	vst v63  }
0xa5: {  	v2 =	vadd.s32 $0x7A1600, v0;
	(ifvalue) =	ssetifvalue $0x7FFFFFFF  }
0xa6: {  	s21 =	sadd.s32 $0x1180, s20;
	(ifvalue) =	ssetifvalue $0x7FFFFFFF  }
0xa7: {  	[tilespmem:s21], [sflag:$0x1] =	stream.indirect_vreg.gather [hbm4b:s2+s12], $0x1, v1, vm0, $0x4038;
	[tilespmem:$0x6400] =	vst v63  }
0xa8: {  	v1 =	vadd.s32 $0x7A1680, v0;
	(ifvalue) =	ssetifvalue $0x7FFFFFFF  }
0xa9: {  	s21 =	sadd.s32 $0x1200, s20;
	(ifvalue) =	ssetifvalue $0x7FFFFFFF  }
0xaa: {  	[tilespmem:s21], [sflag:$0x1] =	stream.indirect_vreg.gather [hbm4b:s2+s12], $0x1, v2, vm0, $0x4038;
	[tilespmem:$0x6400] =	vst v63  }
0xab: {  	v2 =	vadd.s32 $0x7A1700, v0;
	(ifvalue) =	ssetifvalue $0x7FFFFFFF  }
0xac: {  	s21 =	sadd.s32 $0x1280, s20;
	(ifvalue) =	ssetifvalue $0x7FFFFFFF  }
0xad: {  	[tilespmem:s21], [sflag:$0x1] =	stream.indirect_vreg.gather [hbm4b:s2+s12], $0x1, v1, vm0, $0x4038;
	[tilespmem:$0x6400] =	vst v63  }
0xae: {  	v1 =	vadd.s32 $0x7A1780, v0;
	(ifvalue) =	ssetifvalue $0x7FFFFFFF  }
0xaf: {  	s21 =	sadd.s32 $0x1300, s20;
	(ifvalue) =	ssetifvalue $0x7FFFFFFF  }
0xb0: {  	[tilespmem:s21], [sflag:$0x1] =	stream.indirect_vreg.gather [hbm4b:s2+s12], $0x1, v2, vm0, $0x4038;
	[tilespmem:$0x6400] =	vst v63  }
0xb1: {  	v2 =	vadd.s32 $0xF42800, v0;
	(ifvalue) =	ssetifvalue $0x7FFFFFFF  }
0xb2: {  	s21 =	sadd.s32 $0x1380, s20;
	(ifvalue) =	ssetifvalue $0x7FFFFFFF  }
0xb3: {  	[tilespmem:s21], [sflag:$0x1] =	stream.indirect_vreg.gather [hbm4b:s2+s12], $0x1, v1, vm0, $0x4038;
	[tilespmem:$0x6400] =	vst v63  }
0xb4: {  	v1 =	vadd.s32 $0xF42880, v0;
	(ifvalue) =	ssetifvalue $0x7FFFFFFF  }
0xb5: {  	s21 =	sadd.s32 $0x2000, s20;
	(ifvalue) =	ssetifvalue $0x7FFFFFFF  }
0xb6: {  	[tilespmem:s21], [sflag:$0x1] =	stream.indirect_vreg.gather [hbm4b:s2+s12], $0x1, v2, vm0, $0x4038;
	[tilespmem:$0x6400] =	vst v63  }
0xb7: {  	v2 =	vadd.s32 $0xF42900, v0;
	(ifvalue) =	ssetifvalue $0x7FFFFFFF  }
0xb8: {  	s21 =	sadd.s32 $0x2080, s20;
	(ifvalue) =	ssetifvalue $0x7FFFFFFF  }
0xb9: {  	[tilespmem:s21], [sflag:$0x1] =	stream.indirect_vreg.gather [hbm4b:s2+s12], $0x1, v1, vm0, $0x4038;
	[tilespmem:$0x6400] =	vst v63  }
0xba: {  	v1 =	vadd.s32 $0xF42980, v0;
	(ifvalue) =	ssetifvalue $0x7FFFFFFF  }
0xbb: {  	s21 =	sadd.s32 $0x2100, s20;
	(ifvalue) =	ssetifvalue $0x7FFFFFFF  }
0xbc: {  	[tilespmem:s21], [sflag:$0x1] =	stream.indirect_vreg.gather [hbm4b:s2+s12], $0x1, v2, vm0, $0x4038;
	[tilespmem:$0x6400] =	vst v63  }
0xbd: {  	v2 =	vadd.s32 $0xF42A00, v0;
	(ifvalue) =	ssetifvalue $0x7FFFFFFF  }
0xbe: {  	s21 =	sadd.s32 $0x2180, s20;
	(ifvalue) =	ssetifvalue $0x7FFFFFFF  }
0xbf: {  	[tilespmem:s21], [sflag:$0x1] =	stream.indirect_vreg.gather [hbm4b:s2+s12], $0x1, v1, vm0, $0x4038;
	[tilespmem:$0x6400] =	vst v63  }
0xc0: {  	v1 =	vadd.s32 $0xF42A80, v0;
	(ifvalue) =	ssetifvalue $0x7FFFFFFF  }
0xc1: {  	s21 =	sadd.s32 $0x2200, s20;
	(ifvalue) =	ssetifvalue $0x7FFFFFFF  }
0xc2: {  	[tilespmem:s21], [sflag:$0x1] =	stream.indirect_vreg.gather [hbm4b:s2+s12], $0x1, v2, vm0, $0x4038;
	[tilespmem:$0x6400] =	vst v63  }
0xc3: {  	v2 =	vadd.s32 $0xF42B00, v0;
	(ifvalue) =	ssetifvalue $0x7FFFFFFF  }
0xc4: {  	s21 =	sadd.s32 $0x2280, s20;
	(ifvalue) =	ssetifvalue $0x7FFFFFFF  }
0xc5: {  	[tilespmem:s21], [sflag:$0x1] =	stream.indirect_vreg.gather [hbm4b:s2+s12], $0x1, v1, vm0, $0x4038;
	[tilespmem:$0x6400] =	vst v63  }
.Ltmp3:
0xc6: {  	v0 =	vadd.s32 $0xF42B80, v0;
	(ifvalue) =	ssetifvalue $0x7FFFFFFF;
	(pc) =	sbr.rel @p1 .LBB2_3-.Ltmp3, $4  }
0xc7: {  	s21 =	sadd.s32 $0x2300, s20;
	(ifvalue) =	ssetifvalue $0x7FFFFFFF  }
0xc8: {  	[tilespmem:s21], [sflag:$0x1] =	stream.indirect_vreg.gather [hbm4b:s2+s12], $0x1, v2, vm0, $0x4038;
	[tilespmem:$0x6400] =	vst v63  }
0xc9: {  	s18 =	sadd.s32 $0x10, s18;
	(ifvalue) =	ssetifvalue $0x7FFFFFFF  }
0xca: {  	s19 =	sadd.s32 $0x80, s19;
	s20 =	sadd.s32 $0x2380, s20;
	(ifvalue) =	ssetifvalue $0x7FFFFFFF  }
.Ltmp4:
0xcb: {  	_ = 	snop;
	(pc) =	sbr.rel .LBB2_4-.Ltmp4, $1  }
0xcc: {  	_ =	sdelay $0x3  }
.LBB2_6:
0xcd: {  	_ =	sfence.sel $0x180000  }
0xce: {  	s2 =	simm.s32 $0x2;
	[bflag:$0x0] =	sbarrier.arrive $0xFFFF  }
0xcf: {  	s30 =	simm.s32 $0x3;
	[sflag:s2] =	ssyncpa.u1 $0x1  }
0xd0: {  	s31 =	simm.s32 $0x1;
	[sflag:s30] =	ssyncpa.u1 $0x1  }
0xd1: {  	[sflag:s31] =	ssyncpa.u1 $0x1  }
0xd2: {  	p0 =	sne.s32 s0, $0x0;
	_ =	strace $0x9000004A  }
0xd3: {  	s0 =	sadd.s32 @!p0 $0x100000, s1;
	[bflag:$0x2] =	sbarrier.arrive $0xFFFF  }
0xd4: {  	[sflag:s0] =	ssyncadd.tile.s32 @!p0 $0x1;
	_ =	shalt  }
.Lfunc_end2:
_tile_overlayer_lowered:
.L_overlay_start_2:
0xd5: {  	(tag) =	ssettag $0x2  }
0xd6: {  	s0 =	rddreg [dreg:$0x0];
	s2 =	stileid.u32  }
0xd7: {  	s1 =	rddreg [dreg:$0x1];
	p0 =	sne.s32 s2, $0x0  }
0xd8: {  	s3 =	rddreg [dreg:$0x2];
	[bflag:$0x3] =	sbarrier.arrive $0xFFFF;
	s2 =	simm.s32 @!p0 $0x1C01  }
0xd9: {  	[timem:s3], [sflag:s2] =	dma.local @!p0 [hbm:s0], s1  }
0xda: {  	s0 =	simm.s32 @!p0 $0x1  }
0xdb: {  	_ =	swait.ge @!p0 [sflag:s0], s1  }
0xdc: {  	s1 =	ssub.s32 @!p0 $0x0, s1;
	[sflag:s0] =	ssyncset.done @!p0 $0x0  }
0xdd: {  	[sflag:s0] =	ssyncadd.s32 @!p0 s1  }
0xde: {  	[bflag:$0x3] =	sbarrier.arrive $0xFFFF  }
0xdf: {  	_ =	shalt  }

</sc_bundles>
